<compile_context>
chip_gen: v7x
topology: tpu7x:2x2x1
jax: 0.10.2.dev20260603
libtpu: 0.0.44.dev20260713+nightly
codegen_flags: <defaults>
</compile_context>

<pallas_src>
import functools

import jax
import jax.numpy as jnp
from jax import lax
from jax.experimental import pallas as pl
from jax.experimental.pallas import tpu as pltpu
from jax.experimental.pallas import tpu_sc as plsc

K = 512
D = 256
NT = 10
NG = 64
N = 3000
NP = 3072
TILE = 256
TEMP = 0.1
SENTINEL = 1000000

_NW = 32
_BPW = NP // _NW
_REP = 32


def _vq_body(cb_ref, w1_ref, b1_ref, w2_ref, b2_ref, causal_ref,
             ccb_ref, kcb_ref, cmat_ref, kmat_ref):
    cb = cb_ref[...]
    h = lax.dot_general(cb, w1_ref[...], (((1,), (1,)), ((), ())),
                        preferred_element_type=jnp.float32) + b1_ref[...]
    ct = lax.dot_general(jax.nn.sigmoid(h), w2_ref[...],
                         (((1,), (1,)), ((), ())),
                         preferred_element_type=jnp.float32) + b2_ref[...]
    cs = jax.nn.sigmoid(ct)
    causal = causal_ref[...]
    rows = lax.broadcasted_iota(jnp.int32, (K, K), 0)
    cols = lax.broadcasted_iota(jnp.int32, (K, K), 1)
    eye = rows == cols
    causal_eff = jnp.where(eye, 1.0, causal)
    off = jnp.where(eye, 0.0, causal)
    deg = jnp.sum(jnp.abs(off), axis=1, keepdims=True)
    counter_matrix = off / (deg + 1e-8)
    causal_i = jnp.where(eye, causal, 0.0)
    ccb_ref[...] = jnp.dot(causal_eff,
                           jnp.dot(causal_i, cs,
                                   preferred_element_type=jnp.float32),
                           preferred_element_type=jnp.float32)
    kcb_ref[...] = jnp.dot(causal_eff,
                           jnp.dot(counter_matrix, cs,
                                   preferred_element_type=jnp.float32),
                           preferred_element_type=jnp.float32)
    cmat_ref[...] = causal_i
    kmat_ref[...] = counter_matrix


_vq = pl.pallas_call(
    _vq_body,
    out_shape=[
        jax.ShapeDtypeStruct((K, D), jnp.float32),
        jax.ShapeDtypeStruct((K, D), jnp.float32),
        jax.ShapeDtypeStruct((K, K), jnp.float32),
        jax.ShapeDtypeStruct((K, K), jnp.float32),
    ],
)


def _cdist_body(x_ref, ccb_ref, idx_ref, nx_ref):
    cb = ccb_ref[...]
    xb = x_ref[...]
    c2 = jnp.sum(cb * cb, axis=1, keepdims=True)
    mm = lax.dot_general(cb, xb, (((1,), (1,)), ((), ())),
                         preferred_element_type=jnp.float32)
    d2 = c2 - 2.0 * mm
    m = jnp.min(d2, axis=0, keepdims=True)
    row = lax.broadcasted_iota(jnp.int32, (K, TILE), 0)
    idx_ref[0] = jnp.min(jnp.where(d2 == m, row, K), axis=0, keepdims=True)
    nx_ref[...] = xb / (jnp.sqrt(jnp.sum(xb * xb, axis=1, keepdims=True))
                        + 1e-12)


_cdist = pl.pallas_call(
    _cdist_body,
    grid=(NP // TILE,),
    in_specs=[
        pl.BlockSpec((TILE, D), lambda i: (i, 0)),
        pl.BlockSpec((K, D), lambda i: (0, 0)),
    ],
    out_specs=[
        pl.BlockSpec((1, 1, TILE), lambda i: (i, 0, 0)),
        pl.BlockSpec((TILE, D), lambda i: (i, 0)),
    ],
    out_shape=[
        jax.ShapeDtypeStruct((NP // TILE, 1, TILE), jnp.int32),
        jax.ShapeDtypeStruct((NP, D), jnp.float32),
    ],
)


def _sc_gather_body(idx_hbm, ccb_hbm, kcb_hbm, oc_hbm, ok_hbm,
                    idx_v, idx2_v, rows_c, rows_k, sem_c, sem_k):
    wid = lax.axis_index("s") * 2 + lax.axis_index("c")
    base = wid * _BPW
    off = (wid % _REP) * K
    pltpu.sync_copy(idx_hbm.at[pl.ds(base, _BPW)], idx_v)
    for ch in range(_BPW // 16):
        idx2_v[pl.ds(ch * 16, 16)] = idx_v[pl.ds(ch * 16, 16)] + off
    cpy_c = pltpu.async_copy(ccb_hbm.at[idx2_v], rows_c, sem_c)
    cpy_k = pltpu.async_copy(kcb_hbm.at[idx2_v], rows_k, sem_k)
    cpy_c.wait()
    cpy_k.wait()
    pltpu.sync_copy(rows_c, oc_hbm.at[pl.ds(base, _BPW)])
    pltpu.sync_copy(rows_k, ok_hbm.at[pl.ds(base, _BPW)])


@functools.lru_cache(maxsize=1)
def _make_sc_gather():
    return pl.kernel(
        _sc_gather_body,
        out_type=[
            jax.ShapeDtypeStruct((NP, D), jnp.float32),
            jax.ShapeDtypeStruct((NP, D), jnp.float32),
        ],
        mesh=plsc.VectorSubcoreMesh(core_axis_name="c",
                                    subcore_axis_name="s"),
        scratch_types=[
            pltpu.VMEM((_BPW,), jnp.int32),
            pltpu.VMEM((_BPW,), jnp.int32),
            pltpu.VMEM((_BPW, D), jnp.float32),
            pltpu.VMEM((_BPW, D), jnp.float32),
            pltpu.SemaphoreType.DMA,
            pltpu.SemaphoreType.DMA,
        ],
    )


def _pool_body(x_ref, selc_ref, selk_ref, bf_ref, fcw_ref, fcb_ref,
               prec_ref, prek_ref, prey_ref, cout_ref,
               pc_ref, px_ref, nc_ref):
    bf = bf_ref[...]
    gi = lax.broadcasted_iota(jnp.int32, (NG, NP), 0)
    oh = (jnp.broadcast_to(bf, (NG, NP)) == gi).astype(jnp.float32)
    xp = x_ref[...]
    causal_out = xp + selc_ref[...]
    selk = selk_ref[...]
    cout_ref[...] = causal_out
    cnt = jnp.maximum(jnp.sum(oh, axis=1, keepdims=True), 1.0)
    hp = lax.Precision.HIGHEST
    pooled_x = jnp.dot(oh, xp, preferred_element_type=jnp.float32,
                       precision=hp) / cnt
    pooled_c = jnp.dot(oh, causal_out, preferred_element_type=jnp.float32,
                       precision=hp) / cnt
    pooled_k = jnp.dot(oh, selk, preferred_element_type=jnp.float32,
                       precision=hp) / cnt
    px_ref[...] = pooled_x
    pc_ref[...] = pooled_c
    fcw = fcw_ref[...]
    fcb = fcb_ref[...]
    dn = (((1,), (1,)), ((), ()))
    prec_ref[...] = lax.dot_general(
        pooled_c, fcw, dn, preferred_element_type=jnp.float32) + fcb
    prek_ref[...] = lax.dot_general(
        pooled_k, fcw, dn, preferred_element_type=jnp.float32) + fcb
    prey_ref[...] = lax.dot_general(
        pooled_x, fcw, dn, preferred_element_type=jnp.float32) + fcb
    nc_ref[...] = causal_out / (
        jnp.sqrt(jnp.sum(causal_out * causal_out, axis=1, keepdims=True))
        + 1e-12)


_pool = pl.pallas_call(
    _pool_body,
    out_shape=[
        jax.ShapeDtypeStruct((NG, 128), jnp.float32),
        jax.ShapeDtypeStruct((NG, 128), jnp.float32),
        jax.ShapeDtypeStruct((NG, 128), jnp.float32),
        jax.ShapeDtypeStruct((NP, D), jnp.float32),
        jax.ShapeDtypeStruct((NG, D), jnp.float32),
        jax.ShapeDtypeStruct((NG, D), jnp.float32),
        jax.ShapeDtypeStruct((NP, D), jnp.float32),
    ],
)


ATILE = 512

def _adj_body(sj_ref, nxr_ref, nxc_ref, ncr_ref, ncc_ref, br_ref, bc_ref,
              ao_ref, ar_ref):
    brow = br_ref[...]
    bcol = bc_ref[...]
    cond = jnp.logical_and(jnp.max(brow) >= jnp.min(bcol),
                           jnp.max(bcol) >= jnp.min(brow))

    @pl.when(cond)
    def _():
        mask = (jnp.broadcast_to(brow, (ATILE, ATILE))
                == jnp.broadcast_to(bcol, (ATILE, ATILE)))
        dn = (((1,), (1,)), ((), ()))
        a = lax.dot_general(nxr_ref[...], nxc_ref[...], dn,
                            preferred_element_type=jnp.float32)
        ao_ref[...] = jnp.where(mask, jax.nn.sigmoid(a / TEMP), 0.0)
        b = lax.dot_general(ncr_ref[...], ncc_ref[...], dn,
                            preferred_element_type=jnp.float32)
        ar_ref[...] = jnp.where(mask, jax.nn.sigmoid(b / TEMP), 0.0)

    @pl.when(jnp.logical_not(cond))
    def _():
        zeros = jnp.zeros((ATILE, ATILE), jnp.float32)
        ao_ref[...] = zeros
        ar_ref[...] = zeros


_adj = pl.pallas_call(
    _adj_body,
    grid_spec=pltpu.PrefetchScalarGridSpec(
        num_scalar_prefetch=1,
        grid=(NP // ATILE, NP // ATILE),
        in_specs=[
            pl.BlockSpec((ATILE, D), lambda i, j, sj: (i, 0)),
            pl.BlockSpec((ATILE, D), lambda i, j, sj: (sj[i, j], 0)),
            pl.BlockSpec((ATILE, D), lambda i, j, sj: (i, 0)),
            pl.BlockSpec((ATILE, D), lambda i, j, sj: (sj[i, j], 0)),
            pl.BlockSpec((ATILE, 1), lambda i, j, sj: (i, 0)),
            pl.BlockSpec((1, ATILE), lambda i, j, sj: (0, j)),
        ],
        out_specs=[
            pl.BlockSpec((ATILE, ATILE), lambda i, j, sj: (i, j)),
            pl.BlockSpec((ATILE, ATILE), lambda i, j, sj: (i, j)),
        ],
    ),
    out_shape=[
        jax.ShapeDtypeStruct((N, N), jnp.float32),
        jax.ShapeDtypeStruct((N, N), jnp.float32),
    ],
)


def kernel(x, batch, codebook_input, W1, b1, W2, b2, causal, fc_w, fc_b):
    causal_cb, counter_cb, causal_matrix, counter_matrix = _vq(
        codebook_input, W1, b1.reshape(1, 128), W2, b2.reshape(1, D),
        causal)

    xp = jnp.pad(x, ((0, NP - N), (0, 0)))
    batch_p = jnp.pad(batch.astype(jnp.int32), (0, NP - N),
                      constant_values=SENTINEL)
    idx3, nx = _cdist(xp, causal_cb)
    idx = idx3.reshape(NP)

    selc_p, selk_p = _make_sc_gather()(
        idx, jnp.tile(causal_cb, (_REP, 1)), jnp.tile(counter_cb, (_REP, 1)))

    bt = batch_p.reshape(NP // ATILE, ATILE)
    rmin, rmax = bt[:, 0], bt[:, -1]
    active = ((rmax[:, None] >= rmin[None, :])
              & (rmax[None, :] >= rmin[:, None]))
    cols = jnp.arange(NP // ATILE, dtype=jnp.int32)
    jmin = jnp.min(jnp.where(active, cols[None, :], NP // ATILE), axis=1)
    jmax = jnp.max(jnp.where(active, cols[None, :], -1), axis=1)
    sj = jnp.clip(cols[None, :], jmin[:, None], jmax[:, None])
    sj = sj.astype(jnp.int32)

    bf = batch_p.reshape(1, NP)
    brp = batch_p.reshape(NP, 1)
    fcw_p = jnp.pad(fc_w, ((0, 128 - NT), (0, 0)))
    fcb_p = jnp.pad(fc_b, (0, 128 - NT)).reshape(1, 128)
    (pre_c, pre_k, pre_y, causal_out_p, pooled_c, pooled_x,
     nc) = _pool(xp, selc_p, selk_p, bf, fcw_p, fcb_p)

    a_ori, a_rec = _adj(sj, nx, nx, nc, nc, brp, bf)

    return (pre_c[:, :NT], pre_k[:, :NT], pre_y[:, :NT],
            a_ori, a_rec, causal_out_p[:N], x,
            causal_matrix, counter_matrix, pooled_c, pooled_x)

# --- scband reference (transcript-rebuilt; emitter-appended) ---
"""Pipeline reference for scband-mo-model-25658134626617 (READ-ONLY COPY).

The authoritative reference and input builder live on the scoring server;
editing this copy changes nothing except your own understanding.
"""

import jax, jax.numpy as jnp
import numpy as np

K = 512        # num_embeddings
D = 256        # codebook_embedding_dim
NT = 10        # num_tasks
NG = 64        # num graphs in batch
N = 3000       # pooled node count
TEMP = 0.1


def _global_mean_pool(x, batch, num_segments):
    s = jax.ops.segment_sum(x, batch, num_segments=num_segments)
    cnt = jax.ops.segment_sum(jnp.ones((x.shape[0],), x.dtype), batch, num_segments=num_segments)
    return s / jnp.clip(cnt, 1.0)[:, None]


def setup_inputs(seed: int = 0) -> dict:
    key = jax.random.key(seed)
    ks = jax.random.split(key, 12)
    x = jax.random.normal(ks[0], (N, D), dtype=jnp.float32)
    batch = jnp.sort(jax.random.randint(ks[1], (N,), 0, NG).astype(jnp.int64))
    codebook_input = jax.random.normal(ks[2], (K, D), dtype=jnp.float32)
    # VectorQuantizer params
    W1 = jax.random.normal(ks[3], (128, D), dtype=jnp.float32) * (1.0 / np.sqrt(D))
    b1 = jnp.zeros((128,), jnp.float32)
    W2 = jax.random.normal(ks[4], (D, 128), dtype=jnp.float32) * (1.0 / np.sqrt(128))
    b2 = jnp.zeros((D,), jnp.float32)
    causal = jax.random.normal(ks[5], (K, K), dtype=jnp.float32)
    # ClassLayer fc
    fc_w = jax.random.normal(ks[6], (NT, D), dtype=jnp.float32) * (1.0 / np.sqrt(D))
    fc_b = jnp.zeros((NT,), jnp.float32)
    return {"x": x, "batch": batch, "codebook_input": codebook_input,
            "W1": W1, "b1": b1, "W2": W2, "b2": b2, "causal": causal,
            "fc_w": fc_w, "fc_b": fc_b}


def _vector_quantizer(codebook_input, W1, b1, W2, b2, causal):
    I = jnp.eye(K, dtype=jnp.float32)
    h = codebook_input @ W1.T + b1
    codebook_transformed = jax.nn.sigmoid(h) @ W2.T + b2
    causal_effect = causal * (1.0 - I) + I
    codebook_sig = jax.nn.sigmoid(codebook_transformed)
    causal_codebook = (causal * I) @ codebook_sig
    causal_codebook = causal_effect @ causal_codebook
    # DegreeLayer (counter_layer): degree-normalized off-diagonal of causal
    off = causal * (1.0 - I)
    deg = jnp.sum(jnp.abs(off), axis=1, keepdims=True)
    counter_matrix = off / (deg + 1e-8)
    counter_codebook = causal_effect @ (counter_matrix @ codebook_sig)
    return codebook_transformed, causal_codebook, counter_codebook, causal * I, counter_matrix


def _decoder(z, batch):
    nz = z / (jnp.linalg.norm(z, axis=1, keepdims=True) + 1e-12)
    adj = nz @ nz.T
    mask = (batch[:, None] == batch[None, :]).astype(z.dtype)
    return jax.nn.sigmoid(adj / TEMP) * mask


def reference(x, batch, codebook_input, W1, b1, W2, b2, causal, fc_w, fc_b):
    A_ori = _decoder(x, batch)
    processed_cb, causal_cb, counter_cb, causal_matrix, counter_matrix = _vector_quantizer(
        codebook_input, W1, b1, W2, b2, causal)
    # ClassLayer
    pooled_x = _global_mean_pool(x, batch, NG)
    # squared euclidean cdist via expansion
    x2 = jnp.sum(x * x, axis=1, keepdims=True)
    c2 = jnp.sum(causal_cb * causal_cb, axis=1)[None, :]
    d2 = x2 + c2 - 2.0 * (x @ causal_cb.T)
    indices = jnp.argmin(d2, axis=1)
    sel_causal = jnp.take(causal_cb, indices, axis=0)
    sel_counter = jnp.take(counter_cb, indices, axis=0)
    causal_output_nodes = x + sel_causal
    counter_output_nodes = sel_counter
    z_nodes = jnp.take(processed_cb, indices, axis=0)
    pooled_causal = _global_mean_pool(causal_output_nodes, batch, NG)
    pooled_counter = _global_mean_pool(counter_output_nodes, batch, NG)
    causal_pre = pooled_causal @ fc_w.T + fc_b
    counter_pre = pooled_counter @ fc_w.T + fc_b
    y_pre = pooled_x @ jax.lax.stop_gradient(fc_w).T + jax.lax.stop_gradient(fc_b)
    A_rec = _decoder(causal_output_nodes, batch)
    return (causal_pre, counter_pre, y_pre, A_ori, A_rec,
            causal_output_nodes, x, causal_matrix, counter_matrix, pooled_causal, pooled_x)


if False:  # reference __main__ guard neutralized (emitter)
    out = reference(**setup_inputs())
    print([o.shape for o in out])

if __name__ == "__main__":
    import jax
    _d = setup_inputs()
    print(jax.jit(kernel)(*tuple(_d.values())))

</pallas_src>

<mosaic_0001>
#map = affine_map<(d0, d1) -> (0)>
#map1 = affine_map<(d0, d1) -> (0, 0)>
module attributes {stable_mosaic.version = 14 : i64} {
  func.func @_sc_gather_body(%arg0: i32, %arg1: i32, %arg2: memref<3072xi32, #tpu.memory_space<hbm>>, %arg3: memref<16384x256xf32, #tpu.memory_space<hbm>>, %arg4: memref<16384x256xf32, #tpu.memory_space<hbm>>, %arg5: memref<3072x256xf32, #tpu.memory_space<hbm>>, %arg6: memref<3072x256xf32, #tpu.memory_space<hbm>>, %arg7: memref<96xi32, #tpu.memory_space<vmem>>, %arg8: memref<96xi32, #tpu.memory_space<vmem>>, %arg9: memref<96x256xf32, #tpu.memory_space<vmem>>, %arg10: memref<96x256xf32, #tpu.memory_space<vmem>>, %arg11: memref<!tpu.dma_semaphore, #tpu.memory_space<semaphore_mem>>, %arg12: memref<!tpu.dma_semaphore, #tpu.memory_space<semaphore_mem>>) attributes {dimension_semantics = [#tpu.dimension_semantics<core_parallel>, #tpu.dimension_semantics<subcore_parallel>], iteration_bounds = array<i64: 2, 16>, scalar_prefetch = 0 : i64, scratch_operands = 6 : i64, tpu.core_type = #tpu.core_type<sc_vector_subcore>, window_params = [{transform_indices = #map}, {transform_indices = #map1}, {transform_indices = #map1}, {transform_indices = #map1}, {transform_indices = #map1}]} {
    %mul3A = arith.constant 2 : i32
    %mul3A_0 = arith.muli %arg1, %mul3A : i32
    %add3A = arith.addi %mul3A_0, %arg0 : i32
    %mul3A_1 = arith.constant 96 : i32
    %mul3A_2 = arith.muli %add3A, %mul3A_1 : i32
    %jit3A = arith.constant 32 : i32
    %eq3A = arith.constant 0 : i32
    %eq3A_3 = arith.cmpi eq, %jit3A, %eq3A : i32
    %jit3A_4 = arith.constant 1 : i32
    %select_n3A = arith.select %eq3A_3, %jit3A_4, %jit3A : i32
    %rem3A = arith.remsi %add3A, %select_n3A : i32
    %ne3A = arith.constant 0 : i32
    %ne3A_5 = arith.cmpi ne, %rem3A, %ne3A : i32
    %lt3A = arith.constant 0 : i32
    %lt3A_6 = arith.cmpi slt, %rem3A, %lt3A : i32
    %lt3A_7 = arith.constant 0 : i32
    %lt3A_8 = arith.cmpi slt, %select_n3A, %lt3A_7 : i32
    %ne3A_9 = arith.xori %lt3A_6, %lt3A_8 : i1
    %and3A = arith.andi %ne3A_9, %ne3A_5 : i1
    %add3A_10 = arith.addi %rem3A, %select_n3A : i32
    %select_n3A_11 = arith.select %and3A, %add3A_10, %rem3A : i32
    %mul3A_12 = arith.constant 512 : i32
    %mul3A_13 = arith.muli %select_n3A_11, %mul3A_12 : i32
    "tpu.region"() ({
      %run_scoped3A = tpu.sem_alloc : memref<!tpu.dma_semaphore, #tpu.memory_space<semaphore_mem>>
      %dma_start3A_76 = tpu.memref_slice %arg2[%mul3A_2] : memref<3072xi32, #tpu.memory_space<hbm>> -> memref<96xi32, #tpu.memory_space<hbm>>
      %dma_start3A_77 = tpu.memref_slice %arg2[%mul3A_2] : memref<3072xi32, #tpu.memory_space<hbm>> -> memref<96xi32, #tpu.memory_space<hbm>>
      tpu.enqueue_dma source(%dma_start3A_77 : memref<96xi32, #tpu.memory_space<hbm>>) target(%arg7 : memref<96xi32, #tpu.memory_space<vmem>>) target_semaphore(%run_scoped3A : memref<!tpu.dma_semaphore, #tpu.memory_space<semaphore_mem>>)
      %dma_wait3A_78 = tpu.memref_slice %arg2[%mul3A_2] : memref<3072xi32, #tpu.memory_space<hbm>> -> memref<96xi32, #tpu.memory_space<hbm>>
      %dma_wait3A_79 = tpu.memref_slice %arg2[%mul3A_2] : memref<3072xi32, #tpu.memory_space<hbm>> -> memref<96xi32, #tpu.memory_space<hbm>>
      tpu.wait_dma2 semaphore(%run_scoped3A : memref<!tpu.dma_semaphore, #tpu.memory_space<semaphore_mem>>) src(%dma_wait3A_79 : memref<96xi32, #tpu.memory_space<hbm>>) dst(%arg7 : memref<96xi32, #tpu.memory_space<vmem>>)
      tpu.yield
    }) : () -> ()
    %get3A = arith.constant 0 : index
    %get3A_14 = tpu.vector_load %arg7[%get3A] {strides = array<i32>} : memref<96xi32, #tpu.memory_space<vmem>>, vector<16xi32>,
    %get3A_15 = vector.shape_cast %get3A_14 : vector<16xi32> to vector<16xi32>
    %add3A_16 = vector.broadcast %mul3A_13 : i32 to vector<16xi32>
    %add3A_17 = arith.addi %get3A_15, %add3A_16 : vector<16xi32>
    %swap3A = arith.constant 0 : index
    %swap3A_18 = tpu.vector_load %arg8[%swap3A] {strides = array<i32>} : memref<96xi32, #tpu.memory_space<vmem>>, vector<16xi32>,
    %swap3A_19 = vector.shape_cast %swap3A_18 : vector<16xi32> to vector<16xi32>
    %swap3A_20 = vector.shape_cast %add3A_17 : vector<16xi32> to vector<16xi32>
    tpu.vector_store %arg8[%swap3A], %swap3A_20 {strides = array<i32>} : memref<96xi32, #tpu.memory_space<vmem>>, vector<16xi32>,
    %get3A_21 = arith.constant 16 : index
    %get3A_22 = tpu.vector_load %arg7[%get3A_21] {strides = array<i32>} : memref<96xi32, #tpu.memory_space<vmem>>, vector<16xi32>,
    %get3A_23 = vector.shape_cast %get3A_22 : vector<16xi32> to vector<16xi32>
    %add3A_24 = vector.broadcast %mul3A_13 : i32 to vector<16xi32>
    %add3A_25 = arith.addi %get3A_23, %add3A_24 : vector<16xi32>
    %swap3A_26 = arith.constant 16 : index
    %swap3A_27 = tpu.vector_load %arg8[%swap3A_26] {strides = array<i32>} : memref<96xi32, #tpu.memory_space<vmem>>, vector<16xi32>,
    %swap3A_28 = vector.shape_cast %swap3A_27 : vector<16xi32> to vector<16xi32>
    %swap3A_29 = vector.shape_cast %add3A_25 : vector<16xi32> to vector<16xi32>
    tpu.vector_store %arg8[%swap3A_26], %swap3A_29 {strides = array<i32>} : memref<96xi32, #tpu.memory_space<vmem>>, vector<16xi32>,
    %get3A_30 = arith.constant 32 : index
    %get3A_31 = tpu.vector_load %arg7[%get3A_30] {strides = array<i32>} : memref<96xi32, #tpu.memory_space<vmem>>, vector<16xi32>,
    %get3A_32 = vector.shape_cast %get3A_31 : vector<16xi32> to vector<16xi32>
    %add3A_33 = vector.broadcast %mul3A_13 : i32 to vector<16xi32>
    %add3A_34 = arith.addi %get3A_32, %add3A_33 : vector<16xi32>
    %swap3A_35 = arith.constant 32 : index
    %swap3A_36 = tpu.vector_load %arg8[%swap3A_35] {strides = array<i32>} : memref<96xi32, #tpu.memory_space<vmem>>, vector<16xi32>,
    %swap3A_37 = vector.shape_cast %swap3A_36 : vector<16xi32> to vector<16xi32>
    %swap3A_38 = vector.shape_cast %add3A_34 : vector<16xi32> to vector<16xi32>
    tpu.vector_store %arg8[%swap3A_35], %swap3A_38 {strides = array<i32>} : memref<96xi32, #tpu.memory_space<vmem>>, vector<16xi32>,
    %get3A_39 = arith.constant 48 : index
    %get3A_40 = tpu.vector_load %arg7[%get3A_39] {strides = array<i32>} : memref<96xi32, #tpu.memory_space<vmem>>, vector<16xi32>,
    %get3A_41 = vector.shape_cast %get3A_40 : vector<16xi32> to vector<16xi32>
    %add3A_42 = vector.broadcast %mul3A_13 : i32 to vector<16xi32>
    %add3A_43 = arith.addi %get3A_41, %add3A_42 : vector<16xi32>
    %swap3A_44 = arith.constant 48 : index
    %swap3A_45 = tpu.vector_load %arg8[%swap3A_44] {strides = array<i32>} : memref<96xi32, #tpu.memory_space<vmem>>, vector<16xi32>,
    %swap3A_46 = vector.shape_cast %swap3A_45 : vector<16xi32> to vector<16xi32>
    %swap3A_47 = vector.shape_cast %add3A_43 : vector<16xi32> to vector<16xi32>
    tpu.vector_store %arg8[%swap3A_44], %swap3A_47 {strides = array<i32>} : memref<96xi32, #tpu.memory_space<vmem>>, vector<16xi32>,
    %get3A_48 = arith.constant 64 : index
    %get3A_49 = tpu.vector_load %arg7[%get3A_48] {strides = array<i32>} : memref<96xi32, #tpu.memory_space<vmem>>, vector<16xi32>,
    %get3A_50 = vector.shape_cast %get3A_49 : vector<16xi32> to vector<16xi32>
    %add3A_51 = vector.broadcast %mul3A_13 : i32 to vector<16xi32>
    %add3A_52 = arith.addi %get3A_50, %add3A_51 : vector<16xi32>
    %swap3A_53 = arith.constant 64 : index
    %swap3A_54 = tpu.vector_load %arg8[%swap3A_53] {strides = array<i32>} : memref<96xi32, #tpu.memory_space<vmem>>, vector<16xi32>,
    %swap3A_55 = vector.shape_cast %swap3A_54 : vector<16xi32> to vector<16xi32>
    %swap3A_56 = vector.shape_cast %add3A_52 : vector<16xi32> to vector<16xi32>
    tpu.vector_store %arg8[%swap3A_53], %swap3A_56 {strides = array<i32>} : memref<96xi32, #tpu.memory_space<vmem>>, vector<16xi32>,
    %get3A_57 = arith.constant 80 : index
    %get3A_58 = tpu.vector_load %arg7[%get3A_57] {strides = array<i32>} : memref<96xi32, #tpu.memory_space<vmem>>, vector<16xi32>,
    %get3A_59 = vector.shape_cast %get3A_58 : vector<16xi32> to vector<16xi32>
    %add3A_60 = vector.broadcast %mul3A_13 : i32 to vector<16xi32>
    %add3A_61 = arith.addi %get3A_59, %add3A_60 : vector<16xi32>
    %swap3A_62 = arith.constant 80 : index
    %swap3A_63 = tpu.vector_load %arg8[%swap3A_62] {strides = array<i32>} : memref<96xi32, #tpu.memory_space<vmem>>, vector<16xi32>,
    %swap3A_64 = vector.shape_cast %swap3A_63 : vector<16xi32> to vector<16xi32>
    %swap3A_65 = vector.shape_cast %add3A_61 : vector<16xi32> to vector<16xi32>
    tpu.vector_store %arg8[%swap3A_62], %swap3A_65 {strides = array<i32>} : memref<96xi32, #tpu.memory_space<vmem>>, vector<16xi32>,
    %dma_start3A = arith.constant 0 : i32
    %dma_start3A_66 = arith.constant 0 : i32
    %dma_start3A_67 = tpu.memref_slice %arg3[%dma_start3A, %dma_start3A_66] : memref<16384x256xf32, #tpu.memory_space<hbm>> -> memref<16384x256xf32, #tpu.memory_space<hbm>>
    tpu.enqueue_indirect_dma source(%dma_start3A_67 : memref<16384x256xf32, #tpu.memory_space<hbm>>) target(%arg9 : memref<96x256xf32, #tpu.memory_space<vmem>>) offsets(%arg8 : memref<96xi32, #tpu.memory_space<vmem>>) semaphore(%arg11 : memref<!tpu.dma_semaphore, #tpu.memory_space<semaphore_mem>>)
    %dma_start3A_68 = arith.constant 0 : i32
    %dma_start3A_69 = arith.constant 0 : i32
    %dma_start3A_70 = tpu.memref_slice %arg4[%dma_start3A_68, %dma_start3A_69] : memref<16384x256xf32, #tpu.memory_space<hbm>> -> memref<16384x256xf32, #tpu.memory_space<hbm>>
    tpu.enqueue_indirect_dma source(%dma_start3A_70 : memref<16384x256xf32, #tpu.memory_space<hbm>>) target(%arg10 : memref<96x256xf32, #tpu.memory_space<vmem>>) offsets(%arg8 : memref<96xi32, #tpu.memory_space<vmem>>) semaphore(%arg12 : memref<!tpu.dma_semaphore, #tpu.memory_space<semaphore_mem>>)
    %dma_wait3A = arith.constant 0 : i32
    %dma_wait3A_71 = arith.constant 0 : i32
    %dma_wait3A_72 = tpu.memref_slice %arg3[%dma_wait3A, %dma_wait3A_71] : memref<16384x256xf32, #tpu.memory_space<hbm>> -> memref<16384x256xf32, #tpu.memory_space<hbm>>
    tpu.wait_indirect_dma semaphore(%arg11 : memref<!tpu.dma_semaphore, #tpu.memory_space<semaphore_mem>>) src(%dma_wait3A_72 : memref<16384x256xf32, #tpu.memory_space<hbm>>) dst(%arg9 : memref<96x256xf32, #tpu.memory_space<vmem>>)
    %dma_wait3A_73 = arith.constant 0 : i32
    %dma_wait3A_74 = arith.constant 0 : i32
    %dma_wait3A_75 = tpu.memref_slice %arg4[%dma_wait3A_73, %dma_wait3A_74] : memref<16384x256xf32, #tpu.memory_space<hbm>> -> memref<16384x256xf32, #tpu.memory_space<hbm>>
    tpu.wait_indirect_dma semaphore(%arg12 : memref<!tpu.dma_semaphore, #tpu.memory_space<semaphore_mem>>) src(%dma_wait3A_75 : memref<16384x256xf32, #tpu.memory_space<hbm>>) dst(%arg10 : memref<96x256xf32, #tpu.memory_space<vmem>>)
    "tpu.region"() ({
      %run_scoped3A = tpu.sem_alloc : memref<!tpu.dma_semaphore, #tpu.memory_space<semaphore_mem>>
      %dma_start3A_76 = arith.constant 0 : i32
      %dma_start3A_77 = tpu.memref_slice %arg5[%mul3A_2, %dma_start3A_76] : memref<3072x256xf32, #tpu.memory_space<hbm>> -> memref<96x256xf32, #tpu.memory_space<hbm>>
      %dma_start3A_78 = arith.constant 0 : i32
      %dma_start3A_79 = tpu.memref_slice %arg5[%mul3A_2, %dma_start3A_78] : memref<3072x256xf32, #tpu.memory_space<hbm>> -> memref<96x256xf32, #tpu.memory_space<hbm>>
      tpu.enqueue_dma source(%arg9 : memref<96x256xf32, #tpu.memory_space<vmem>>) target(%dma_start3A_79 : memref<96x256xf32, #tpu.memory_space<hbm>>) target_semaphore(%run_scoped3A : memref<!tpu.dma_semaphore, #tpu.memory_space<semaphore_mem>>)
      %dma_wait3A_80 = arith.constant 0 : i32
      %dma_wait3A_81 = tpu.memref_slice %arg5[%mul3A_2, %dma_wait3A_80] : memref<3072x256xf32, #tpu.memory_space<hbm>> -> memref<96x256xf32, #tpu.memory_space<hbm>>
      %dma_wait3A_82 = arith.constant 0 : i32
      %dma_wait3A_83 = tpu.memref_slice %arg5[%mul3A_2, %dma_wait3A_82] : memref<3072x256xf32, #tpu.memory_space<hbm>> -> memref<96x256xf32, #tpu.memory_space<hbm>>
      tpu.wait_dma2 semaphore(%run_scoped3A : memref<!tpu.dma_semaphore, #tpu.memory_space<semaphore_mem>>) src(%arg9 : memref<96x256xf32, #tpu.memory_space<vmem>>) dst(%dma_wait3A_83 : memref<96x256xf32, #tpu.memory_space<hbm>>)
      tpu.yield
    }) : () -> ()
    "tpu.region"() ({
      %run_scoped3A = tpu.sem_alloc : memref<!tpu.dma_semaphore, #tpu.memory_space<semaphore_mem>>
      %dma_start3A_76 = arith.constant 0 : i32
      %dma_start3A_77 = tpu.memref_slice %arg6[%mul3A_2, %dma_start3A_76] : memref<3072x256xf32, #tpu.memory_space<hbm>> -> memref<96x256xf32, #tpu.memory_space<hbm>>
      %dma_start3A_78 = arith.constant 0 : i32
      %dma_start3A_79 = tpu.memref_slice %arg6[%mul3A_2, %dma_start3A_78] : memref<3072x256xf32, #tpu.memory_space<hbm>> -> memref<96x256xf32, #tpu.memory_space<hbm>>
      tpu.enqueue_dma source(%arg10 : memref<96x256xf32, #tpu.memory_space<vmem>>) target(%dma_start3A_79 : memref<96x256xf32, #tpu.memory_space<hbm>>) target_semaphore(%run_scoped3A : memref<!tpu.dma_semaphore, #tpu.memory_space<semaphore_mem>>)
      %dma_wait3A_80 = arith.constant 0 : i32
      %dma_wait3A_81 = tpu.memref_slice %arg6[%mul3A_2, %dma_wait3A_80] : memref<3072x256xf32, #tpu.memory_space<hbm>> -> memref<96x256xf32, #tpu.memory_space<hbm>>
      %dma_wait3A_82 = arith.constant 0 : i32
      %dma_wait3A_83 = tpu.memref_slice %arg6[%mul3A_2, %dma_wait3A_82] : memref<3072x256xf32, #tpu.memory_space<hbm>> -> memref<96x256xf32, #tpu.memory_space<hbm>>
      tpu.wait_dma2 semaphore(%run_scoped3A : memref<!tpu.dma_semaphore, #tpu.memory_space<semaphore_mem>>) src(%arg10 : memref<96x256xf32, #tpu.memory_space<vmem>>) dst(%dma_wait3A_83 : memref<96x256xf32, #tpu.memory_space<hbm>>)
      tpu.yield
    }) : () -> ()
    return
  }
}

module attributes {stable_mosaic.version = 14 : i64} {
  func.func @_vq_body(%arg0: memref<512x256xf32, #tpu.memory_space<vmem>>, %arg1: memref<128x256xf32, #tpu.memory_space<vmem>>, %arg2: memref<1x128xf32, #tpu.memory_space<vmem>>, %arg3: memref<256x128xf32, #tpu.memory_space<vmem>>, %arg4: memref<1x256xf32, #tpu.memory_space<vmem>>, %arg5: memref<512x512xf32, #tpu.memory_space<vmem>>, %arg6: memref<512x256xf32, #tpu.memory_space<vmem>>, %arg7: memref<512x256xf32, #tpu.memory_space<vmem>>, %arg8: memref<512x512xf32, #tpu.memory_space<vmem>>, %arg9: memref<512x512xf32, #tpu.memory_space<vmem>>) attributes {dimension_semantics = [], scalar_prefetch = 0 : i64, scratch_operands = 0 : i64, tpu.core_type = #tpu.core_type<tc>} {
    %get3A = arith.constant 0 : index
    %get3A_0 = arith.constant 0 : index
    %get3A_1 = vector.load %arg0[%get3A, %get3A_0] : memref<512x256xf32, #tpu.memory_space<vmem>>, vector<512x256xf32>
    %get3A_2 = arith.constant 0 : index
    %get3A_3 = arith.constant 0 : index
    %get3A_4 = vector.load %arg1[%get3A_2, %get3A_3] : memref<128x256xf32, #tpu.memory_space<vmem>>, vector<128x256xf32>
    %dot_general3A = arith.constant dense<0.000000e+00> : vector<512x128xf32>
    %dot_general3A_5 = tpu.matmul %get3A_1, %get3A_4, %dot_general3A {dimension_numbers = #tpu.dot_dimension_numbers<[1], [1], [0], [0], [0, 0, 1, 0], [], []>, transpose_lhs_hint = false} : vector<512x256xf32>, vector<128x256xf32>, vector<512x128xf32> -> vector<512x128xf32>
    %get3A_6 = arith.constant 0 : index
    %get3A_7 = arith.constant 0 : index
    %get3A_8 = vector.load %arg2[%get3A_6, %get3A_7] : memref<1x128xf32, #tpu.memory_space<vmem>>, vector<1x128xf32>
    %add3A = vector.broadcast %get3A_8 : vector<1x128xf32> to vector<512x128xf32>
    %add3A_9 = arith.addf %dot_general3A_5, %add3A : vector<512x128xf32>
    %logistic3A = arith.negf %add3A_9 : vector<512x128xf32>
    %logistic3A_10 = math.exp %logistic3A : vector<512x128xf32>
    %logistic3A_11 = arith.constant 1.000000e+00 : f32
    %logistic3A_12 = vector.broadcast %logistic3A_11 : f32 to vector<512x128xf32>
    %logistic3A_13 = arith.addf %logistic3A_12, %logistic3A_10 : vector<512x128xf32>
    %logistic3A_14 = arith.divf %logistic3A_12, %logistic3A_13 : vector<512x128xf32>
    %get3A_15 = arith.constant 0 : index
    %get3A_16 = arith.constant 0 : index
    %get3A_17 = vector.load %arg3[%get3A_15, %get3A_16] : memref<256x128xf32, #tpu.memory_space<vmem>>, vector<256x128xf32>
    %dot_general3A_18 = arith.constant dense<0.000000e+00> : vector<512x256xf32>
    %dot_general3A_19 = tpu.matmul %logistic3A_14, %get3A_17, %dot_general3A_18 {dimension_numbers = #tpu.dot_dimension_numbers<[1], [1], [0], [0], [0, 0, 1, 0], [], []>, transpose_lhs_hint = false} : vector<512x128xf32>, vector<256x128xf32>, vector<512x256xf32> -> vector<512x256xf32>
    %get3A_20 = arith.constant 0 : index
    %get3A_21 = arith.constant 0 : index
    %get3A_22 = vector.load %arg4[%get3A_20, %get3A_21] : memref<1x256xf32, #tpu.memory_space<vmem>>, vector<1x256xf32>
    %add3A_23 = vector.broadcast %get3A_22 : vector<1x256xf32> to vector<512x256xf32>
    %add3A_24 = arith.addf %dot_general3A_19, %add3A_23 : vector<512x256xf32>
    %logistic3A_25 = arith.negf %add3A_24 : vector<512x256xf32>
    %logistic3A_26 = math.exp %logistic3A_25 : vector<512x256xf32>
    %logistic3A_27 = arith.constant 1.000000e+00 : f32
    %logistic3A_28 = vector.broadcast %logistic3A_27 : f32 to vector<512x256xf32>
    %logistic3A_29 = arith.addf %logistic3A_28, %logistic3A_26 : vector<512x256xf32>
    %logistic3A_30 = arith.divf %logistic3A_28, %logistic3A_29 : vector<512x256xf32>
    %get3A_31 = arith.constant 0 : index
    %get3A_32 = arith.constant 0 : index
    %get3A_33 = vector.load %arg5[%get3A_31, %get3A_32] : memref<512x512xf32, #tpu.memory_space<vmem>>, vector<512x512xf32>
    %iota3A = tpu.iota {dimensions = array<i32: 0>} : vector<512x512xi32>
    %iota3A_34 = tpu.iota {dimensions = array<i32: 1>} : vector<512x512xi32>
    %eq3A = arith.cmpi eq, %iota3A, %iota3A_34 : vector<512x512xi32>
    %jit3A = arith.constant 1.000000e+00 : f32
    %broadcast_in_dim3A = vector.broadcast %jit3A : f32 to vector<512x512xf32>
    %select_n3A = arith.select %eq3A, %broadcast_in_dim3A, %get3A_33 : vector<512x512xi1>, vector<512x512xf32>
    %jit3A_35 = arith.constant 0.000000e+00 : f32
    %broadcast_in_dim3A_36 = vector.broadcast %jit3A_35 : f32 to vector<512x512xf32>
    %select_n3A_37 = arith.select %eq3A, %broadcast_in_dim3A_36, %get3A_33 : vector<512x512xi1>, vector<512x512xf32>
    %abs3A = math.absf %select_n3A_37 : vector<512x512xf32>
    %reduce_sum3A = arith.constant dense<0.000000e+00> : vector<512xf32>
    %reduce_sum3A_38 = vector.multi_reduction <add>, %abs3A, %reduce_sum3A [1] : vector<512x512xf32> to vector<512xf32>
    %broadcast_in_dim3A_39 = vector.shape_cast %reduce_sum3A_38 : vector<512xf32> to vector<512x1xf32>
    %add3A_40 = arith.constant 9.99999993E-9 : f32
    %add3A_41 = vector.broadcast %add3A_40 : f32 to vector<512x1xf32>
    %add3A_42 = arith.addf %broadcast_in_dim3A_39, %add3A_41 : vector<512x1xf32>
    %div3A = vector.broadcast %add3A_42 : vector<512x1xf32> to vector<512x512xf32>
    %div3A_43 = arith.divf %select_n3A_37, %div3A : vector<512x512xf32>
    %jit3A_44 = arith.constant 0.000000e+00 : f32
    %broadcast_in_dim3A_45 = vector.broadcast %jit3A_44 : f32 to vector<512x512xf32>
    %select_n3A_46 = arith.select %eq3A, %get3A_33, %broadcast_in_dim3A_45 : vector<512x512xi1>, vector<512x512xf32>
    %dot_general3A_47 = arith.constant dense<0.000000e+00> : vector<512x256xf32>
    %dot_general3A_48 = tpu.matmul %select_n3A_46, %logistic3A_30, %dot_general3A_47 {dimension_numbers = #tpu.dot_dimension_numbers<[1], [0], [0], [1], [0, 0, 1, 1], [], []>, transpose_lhs_hint = false} : vector<512x512xf32>, vector<512x256xf32>, vector<512x256xf32> -> vector<512x256xf32>
    %dot_general3A_49 = arith.constant dense<0.000000e+00> : vector<512x256xf32>
    %dot_general3A_50 = tpu.matmul %select_n3A, %dot_general3A_48, %dot_general3A_49 {dimension_numbers = #tpu.dot_dimension_numbers<[1], [0], [0], [1], [0, 0, 1, 1], [], []>, transpose_lhs_hint = false} : vector<512x512xf32>, vector<512x256xf32>, vector<512x256xf32> -> vector<512x256xf32>
    %swap3A = arith.constant 0 : index
    %swap3A_51 = arith.constant 0 : index
    %swap3A_52 = vector.load %arg6[%swap3A, %swap3A_51] : memref<512x256xf32, #tpu.memory_space<vmem>>, vector<512x256xf32>
    tpu.vector_store %arg6[%swap3A, %swap3A_51], %dot_general3A_50 {strides = array<i32>} : memref<512x256xf32, #tpu.memory_space<vmem>>, vector<512x256xf32>,
    %dot_general3A_53 = arith.constant dense<0.000000e+00> : vector<512x256xf32>
    %dot_general3A_54 = tpu.matmul %div3A_43, %logistic3A_30, %dot_general3A_53 {dimension_numbers = #tpu.dot_dimension_numbers<[1], [0], [0], [1], [0, 0, 1, 1], [], []>, transpose_lhs_hint = false} : vector<512x512xf32>, vector<512x256xf32>, vector<512x256xf32> -> vector<512x256xf32>
    %dot_general3A_55 = arith.constant dense<0.000000e+00> : vector<512x256xf32>
    %dot_general3A_56 = tpu.matmul %select_n3A, %dot_general3A_54, %dot_general3A_55 {dimension_numbers = #tpu.dot_dimension_numbers<[1], [0], [0], [1], [0, 0, 1, 1], [], []>, transpose_lhs_hint = false} : vector<512x512xf32>, vector<512x256xf32>, vector<512x256xf32> -> vector<512x256xf32>
    %swap3A_57 = arith.constant 0 : index
    %swap3A_58 = arith.constant 0 : index
    %swap3A_59 = vector.load %arg7[%swap3A_57, %swap3A_58] : memref<512x256xf32, #tpu.memory_space<vmem>>, vector<512x256xf32>
    tpu.vector_store %arg7[%swap3A_57, %swap3A_58], %dot_general3A_56 {strides = array<i32>} : memref<512x256xf32, #tpu.memory_space<vmem>>, vector<512x256xf32>,
    %swap3A_60 = arith.constant 0 : index
    %swap3A_61 = arith.constant 0 : index
    %swap3A_62 = vector.load %arg8[%swap3A_60, %swap3A_61] : memref<512x512xf32, #tpu.memory_space<vmem>>, vector<512x512xf32>
    tpu.vector_store %arg8[%swap3A_60, %swap3A_61], %select_n3A_46 {strides = array<i32>} : memref<512x512xf32, #tpu.memory_space<vmem>>, vector<512x512xf32>,
    %swap3A_63 = arith.constant 0 : index
    %swap3A_64 = arith.constant 0 : index
    %swap3A_65 = vector.load %arg9[%swap3A_63, %swap3A_64] : memref<512x512xf32, #tpu.memory_space<vmem>>, vector<512x512xf32>
    tpu.vector_store %arg9[%swap3A_63, %swap3A_64], %div3A_43 {strides = array<i32>} : memref<512x512xf32, #tpu.memory_space<vmem>>, vector<512x512xf32>,
    return
  }
}

module attributes {stable_mosaic.version = 14 : i64} {
  func.func @_cdist_body(%arg0: i32, %arg1: memref<256x256xf32, #tpu.memory_space<vmem>>, %arg2: memref<512x256xf32, #tpu.memory_space<vmem>>, %arg3: memref<1x1x256xi32, #tpu.memory_space<vmem>>, %arg4: memref<256x256xf32, #tpu.memory_space<vmem>>) attributes {dimension_semantics = [#tpu.dimension_semantics<arbitrary>], iteration_bounds = array<i64: 12>, scalar_prefetch = 0 : i64, scratch_operands = 0 : i64, tpu.core_type = #tpu.core_type<tc>, window_params = [{transform_indices = @transform_0, window_bounds = array<i64: 256, 256>}, {pipeline_mode = #tpu.pipeline_mode<synchronous>, transform_indices = @transform_1, window_bounds = array<i64: 512, 256>}, {transform_indices = @transform_2, window_bounds = array<i64: 1, 1, 256>}, {transform_indices = @transform_3, window_bounds = array<i64: 256, 256>}]} {
    %get3A = arith.constant 0 : index
    %get3A_0 = arith.constant 0 : index
    %get3A_1 = vector.load %arg2[%get3A, %get3A_0] : memref<512x256xf32, #tpu.memory_space<vmem>>, vector<512x256xf32>
    %get3A_2 = arith.constant 0 : index
    %get3A_3 = arith.constant 0 : index
    %get3A_4 = vector.load %arg1[%get3A_2, %get3A_3] : memref<256x256xf32, #tpu.memory_space<vmem>>, vector<256x256xf32>
    %mul3A = arith.mulf %get3A_1, %get3A_1 : vector<512x256xf32>
    %reduce_sum3A = arith.constant dense<0.000000e+00> : vector<512xf32>
    %reduce_sum3A_5 = vector.multi_reduction <add>, %mul3A, %reduce_sum3A [1] : vector<512x256xf32> to vector<512xf32>
    %broadcast_in_dim3A = vector.shape_cast %reduce_sum3A_5 : vector<512xf32> to vector<512x1xf32>
    %dot_general3A = arith.constant dense<0.000000e+00> : vector<512x256xf32>
    %dot_general3A_6 = tpu.matmul %get3A_1, %get3A_4, %dot_general3A {dimension_numbers = #tpu.dot_dimension_numbers<[1], [1], [0], [0], [0, 0, 1, 0], [], []>, transpose_lhs_hint = false} : vector<512x256xf32>, vector<256x256xf32>, vector<512x256xf32> -> vector<512x256xf32>
    %mul3A_7 = arith.constant 2.000000e+00 : f32
    %mul3A_8 = vector.broadcast %mul3A_7 : f32 to vector<512x256xf32>
    %mul3A_9 = arith.mulf %mul3A_8, %dot_general3A_6 : vector<512x256xf32>
    %sub3A = vector.broadcast %broadcast_in_dim3A : vector<512x1xf32> to vector<512x256xf32>
    %sub3A_10 = arith.subf %sub3A, %mul3A_9 : vector<512x256xf32>
    %reduce_min3A = arith.constant dense<0x7F800000> : vector<256xf32>
    %reduce_min3A_11 = vector.multi_reduction <minimumf>, %sub3A_10, %reduce_min3A [0] : vector<512x256xf32> to vector<256xf32>
    %broadcast_in_dim3A_12 = vector.shape_cast %reduce_min3A_11 : vector<256xf32> to vector<1x256xf32>
    %iota3A = tpu.iota {dimensions = array<i32: 0>} : vector<512x256xi32>
    %eq3A = vector.broadcast %broadcast_in_dim3A_12 : vector<1x256xf32> to vector<512x256xf32>
    %eq3A_13 = arith.cmpf oeq, %sub3A_10, %eq3A : vector<512x256xf32>
    %jit3A = arith.constant 512 : i32
    %broadcast_in_dim3A_14 = vector.broadcast %jit3A : i32 to vector<512x256xi32>
    %select_n3A = arith.select %eq3A_13, %iota3A, %broadcast_in_dim3A_14 : vector<512x256xi1>, vector<512x256xi32>
    %reduce_min3A_15 = arith.constant dense<2147483647> : vector<256xi32>
    %reduce_min3A_16 = vector.multi_reduction <minsi>, %select_n3A, %reduce_min3A_15 [0] : vector<512x256xi32> to vector<256xi32>
    %broadcast_in_dim3A_17 = vector.shape_cast %reduce_min3A_16 : vector<256xi32> to vector<1x256xi32>
    %swap3A = arith.constant 0 : index
    %swap3A_18 = arith.constant 0 : index
    %swap3A_19 = arith.constant 0 : index
    %swap3A_20 = vector.load %arg3[%swap3A, %swap3A_18, %swap3A_19] : memref<1x1x256xi32, #tpu.memory_space<vmem>>, vector<1x1x256xi32>
    %swap3A_21 = vector.shape_cast %swap3A_20 : vector<1x1x256xi32> to vector<1x256xi32>
    %swap3A_22 = vector.shape_cast %broadcast_in_dim3A_17 : vector<1x256xi32> to vector<1x1x256xi32>
    tpu.vector_store %arg3[%swap3A, %swap3A_18, %swap3A_19], %swap3A_22 {strides = array<i32>} : memref<1x1x256xi32, #tpu.memory_space<vmem>>, vector<1x1x256xi32>,
    %mul3A_23 = arith.mulf %get3A_4, %get3A_4 : vector<256x256xf32>
    %reduce_sum3A_24 = arith.constant dense<0.000000e+00> : vector<256xf32>
    %reduce_sum3A_25 = vector.multi_reduction <add>, %mul3A_23, %reduce_sum3A_24 [1] : vector<256x256xf32> to vector<256xf32>
    %broadcast_in_dim3A_26 = vector.shape_cast %reduce_sum3A_25 : vector<256xf32> to vector<256x1xf32>
    %sqrt3A = math.sqrt %broadcast_in_dim3A_26 : vector<256x1xf32>
    %add3A = arith.constant 9.99999996E-13 : f32
    %add3A_27 = vector.broadcast %add3A : f32 to vector<256x1xf32>
    %add3A_28 = arith.addf %sqrt3A, %add3A_27 : vector<256x1xf32>
    %div3A = vector.broadcast %add3A_28 : vector<256x1xf32> to vector<256x256xf32>
    %div3A_29 = arith.divf %get3A_4, %div3A : vector<256x256xf32>
    %swap3A_30 = arith.constant 0 : index
    %swap3A_31 = arith.constant 0 : index
    %swap3A_32 = vector.load %arg4[%swap3A_30, %swap3A_31] : memref<256x256xf32, #tpu.memory_space<vmem>>, vector<256x256xf32>
    tpu.vector_store %arg4[%swap3A_30, %swap3A_31], %div3A_29 {strides = array<i32>} : memref<256x256xf32, #tpu.memory_space<vmem>>, vector<256x256xf32>,
    return
  }
  func.func @transform_0(%arg0: i32) -> (i32, i32) {
    %c0_i32 = arith.constant 0 : i32
    %c0_i32_0 = arith.constant 0 : i32
    return %arg0, %c0_i32 : i32, i32
  }
  func.func @transform_1(%arg0: i32) -> (i32, i32) {
    %c0_i32 = arith.constant 0 : i32
    %c0_i32_0 = arith.constant 0 : i32
    %c0_i32_1 = arith.constant 0 : i32
    return %c0_i32, %c0_i32_0 : i32, i32
  }
  func.func @transform_2(%arg0: i32) -> (i32, i32, i32) {
    %c0_i32 = arith.constant 0 : i32
    %c0_i32_0 = arith.constant 0 : i32
    %c0_i32_1 = arith.constant 0 : i32
    return %arg0, %c0_i32, %c0_i32_0 : i32, i32, i32
  }
  func.func @transform_3(%arg0: i32) -> (i32, i32) {
    %c0_i32 = arith.constant 0 : i32
    %c0_i32_0 = arith.constant 0 : i32
    return %arg0, %c0_i32 : i32, i32
  }
}

module attributes {stable_mosaic.version = 14 : i64} {
  func.func @_pool_body(%arg0: memref<3072x256xf32, #tpu.memory_space<vmem>>, %arg1: memref<3072x256xf32, #tpu.memory_space<vmem>>, %arg2: memref<3072x256xf32, #tpu.memory_space<vmem>>, %arg3: memref<1x3072xi32, #tpu.memory_space<vmem>>, %arg4: memref<128x256xf32, #tpu.memory_space<vmem>>, %arg5: memref<1x128xf32, #tpu.memory_space<vmem>>, %arg6: memref<64x128xf32, #tpu.memory_space<vmem>>, %arg7: memref<64x128xf32, #tpu.memory_space<vmem>>, %arg8: memref<64x128xf32, #tpu.memory_space<vmem>>, %arg9: memref<3072x256xf32, #tpu.memory_space<vmem>>, %arg10: memref<64x256xf32, #tpu.memory_space<vmem>>, %arg11: memref<64x256xf32, #tpu.memory_space<vmem>>, %arg12: memref<3072x256xf32, #tpu.memory_space<vmem>>) attributes {dimension_semantics = [], scalar_prefetch = 0 : i64, scratch_operands = 0 : i64, tpu.core_type = #tpu.core_type<tc>} {
    %get3A = arith.constant 0 : index
    %get3A_0 = arith.constant 0 : index
    %get3A_1 = vector.load %arg3[%get3A, %get3A_0] : memref<1x3072xi32, #tpu.memory_space<vmem>>, vector<1x3072xi32>
    %iota3A = tpu.iota {dimensions = array<i32: 0>} : vector<64x3072xi32>
    %broadcast_in_dim3A = vector.shape_cast %get3A_1 : vector<1x3072xi32> to vector<1x3072xi32>
    %broadcast_in_dim3A_2 = vector.broadcast %broadcast_in_dim3A : vector<1x3072xi32> to vector<64x3072xi32>
    %eq3A = arith.cmpi eq, %broadcast_in_dim3A_2, %iota3A : vector<64x3072xi32>
    %convert_element_type3A = arith.extui %eq3A : vector<64x3072xi1> to vector<64x3072xi32>
    %convert_element_type3A_3 = arith.sitofp %convert_element_type3A : vector<64x3072xi32> to vector<64x3072xf32>
    %get3A_4 = arith.constant 0 : index
    %get3A_5 = arith.constant 0 : index
    %get3A_6 = vector.load %arg0[%get3A_4, %get3A_5] : memref<3072x256xf32, #tpu.memory_space<vmem>>, vector<3072x256xf32>
    %get3A_7 = arith.constant 0 : index
    %get3A_8 = arith.constant 0 : index
    %get3A_9 = vector.load %arg1[%get3A_7, %get3A_8] : memref<3072x256xf32, #tpu.memory_space<vmem>>, vector<3072x256xf32>
    %add3A = arith.addf %get3A_6, %get3A_9 : vector<3072x256xf32>
    %get3A_10 = arith.constant 0 : index
    %get3A_11 = arith.constant 0 : index
    %get3A_12 = vector.load %arg2[%get3A_10, %get3A_11] : memref<3072x256xf32, #tpu.memory_space<vmem>>, vector<3072x256xf32>
    %swap3A = arith.constant 0 : index
    %swap3A_13 = arith.constant 0 : index
    %swap3A_14 = vector.load %arg9[%swap3A, %swap3A_13] : memref<3072x256xf32, #tpu.memory_space<vmem>>, vector<3072x256xf32>
    tpu.vector_store %arg9[%swap3A, %swap3A_13], %add3A {strides = array<i32>} : memref<3072x256xf32, #tpu.memory_space<vmem>>, vector<3072x256xf32>,
    %reduce_sum3A = arith.constant dense<0.000000e+00> : vector<64xf32>
    %reduce_sum3A_15 = vector.multi_reduction <add>, %convert_element_type3A_3, %reduce_sum3A [1] : vector<64x3072xf32> to vector<64xf32>
    %broadcast_in_dim3A_16 = vector.shape_cast %reduce_sum3A_15 : vector<64xf32> to vector<64x1xf32>
    %max3A = arith.constant 1.000000e+00 : f32
    %max3A_17 = vector.broadcast %max3A : f32 to vector<64x1xf32>
    %max3A_18 = arith.maximumf %broadcast_in_dim3A_16, %max3A_17 : vector<64x1xf32>
    %dot_general3A = arith.constant dense<0.000000e+00> : vector<64x256xf32>
    %dot_general3A_19 = tpu.matmul %convert_element_type3A_3, %get3A_6, %dot_general3A {dimension_numbers = #tpu.dot_dimension_numbers<[1], [0], [0], [1], [0, 0, 1, 1], [], []>, precision = #tpu.contract_precision<fp32>, transpose_lhs_hint = false} : vector<64x3072xf32>, vector<3072x256xf32>, vector<64x256xf32> -> vector<64x256xf32>
    %div3A = vector.broadcast %max3A_18 : vector<64x1xf32> to vector<64x256xf32>
    %div3A_20 = arith.divf %dot_general3A_19, %div3A : vector<64x256xf32>
    %dot_general3A_21 = arith.constant dense<0.000000e+00> : vector<64x256xf32>
    %dot_general3A_22 = tpu.matmul %convert_element_type3A_3, %add3A, %dot_general3A_21 {dimension_numbers = #tpu.dot_dimension_numbers<[1], [0], [0], [1], [0, 0, 1, 1], [], []>, precision = #tpu.contract_precision<fp32>, transpose_lhs_hint = false} : vector<64x3072xf32>, vector<3072x256xf32>, vector<64x256xf32> -> vector<64x256xf32>
    %div3A_23 = vector.broadcast %max3A_18 : vector<64x1xf32> to vector<64x256xf32>
    %div3A_24 = arith.divf %dot_general3A_22, %div3A_23 : vector<64x256xf32>
    %dot_general3A_25 = arith.constant dense<0.000000e+00> : vector<64x256xf32>
    %dot_general3A_26 = tpu.matmul %convert_element_type3A_3, %get3A_12, %dot_general3A_25 {dimension_numbers = #tpu.dot_dimension_numbers<[1], [0], [0], [1], [0, 0, 1, 1], [], []>, precision = #tpu.contract_precision<fp32>, transpose_lhs_hint = false} : vector<64x3072xf32>, vector<3072x256xf32>, vector<64x256xf32> -> vector<64x256xf32>
    %div3A_27 = vector.broadcast %max3A_18 : vector<64x1xf32> to vector<64x256xf32>
    %div3A_28 = arith.divf %dot_general3A_26, %div3A_27 : vector<64x256xf32>
    %swap3A_29 = arith.constant 0 : index
    %swap3A_30 = arith.constant 0 : index
    %swap3A_31 = vector.load %arg11[%swap3A_29, %swap3A_30] : memref<64x256xf32, #tpu.memory_space<vmem>>, vector<64x256xf32>
    tpu.vector_store %arg11[%swap3A_29, %swap3A_30], %div3A_20 {strides = array<i32>} : memref<64x256xf32, #tpu.memory_space<vmem>>, vector<64x256xf32>,
    %swap3A_32 = arith.constant 0 : index
    %swap3A_33 = arith.constant 0 : index
    %swap3A_34 = vector.load %arg10[%swap3A_32, %swap3A_33] : memref<64x256xf32, #tpu.memory_space<vmem>>, vector<64x256xf32>
    tpu.vector_store %arg10[%swap3A_32, %swap3A_33], %div3A_24 {strides = array<i32>} : memref<64x256xf32, #tpu.memory_space<vmem>>, vector<64x256xf32>,
    %get3A_35 = arith.constant 0 : index
    %get3A_36 = arith.constant 0 : index
    %get3A_37 = vector.load %arg4[%get3A_35, %get3A_36] : memref<128x256xf32, #tpu.memory_space<vmem>>, vector<128x256xf32>
    %get3A_38 = arith.constant 0 : index
    %get3A_39 = arith.constant 0 : index
    %get3A_40 = vector.load %arg5[%get3A_38, %get3A_39] : memref<1x128xf32, #tpu.memory_space<vmem>>, vector<1x128xf32>
    %dot_general3A_41 = arith.constant dense<0.000000e+00> : vector<64x128xf32>
    %dot_general3A_42 = tpu.matmul %div3A_24, %get3A_37, %dot_general3A_41 {dimension_numbers = #tpu.dot_dimension_numbers<[1], [1], [0], [0], [0, 0, 1, 0], [], []>, transpose_lhs_hint = false} : vector<64x256xf32>, vector<128x256xf32>, vector<64x128xf32> -> vector<64x128xf32>
    %add3A_43 = vector.broadcast %get3A_40 : vector<1x128xf32> to vector<64x128xf32>
    %add3A_44 = arith.addf %dot_general3A_42, %add3A_43 : vector<64x128xf32>
    %swap3A_45 = arith.constant 0 : index
    %swap3A_46 = arith.constant 0 : index
    %swap3A_47 = vector.load %arg6[%swap3A_45, %swap3A_46] : memref<64x128xf32, #tpu.memory_space<vmem>>, vector<64x128xf32>
    tpu.vector_store %arg6[%swap3A_45, %swap3A_46], %add3A_44 {strides = array<i32>} : memref<64x128xf32, #tpu.memory_space<vmem>>, vector<64x128xf32>,
    %dot_general3A_48 = arith.constant dense<0.000000e+00> : vector<64x128xf32>
    %dot_general3A_49 = tpu.matmul %div3A_28, %get3A_37, %dot_general3A_48 {dimension_numbers = #tpu.dot_dimension_numbers<[1], [1], [0], [0], [0, 0, 1, 0], [], []>, transpose_lhs_hint = false} : vector<64x256xf32>, vector<128x256xf32>, vector<64x128xf32> -> vector<64x128xf32>
    %add3A_50 = vector.broadcast %get3A_40 : vector<1x128xf32> to vector<64x128xf32>
    %add3A_51 = arith.addf %dot_general3A_49, %add3A_50 : vector<64x128xf32>
    %swap3A_52 = arith.constant 0 : index
    %swap3A_53 = arith.constant 0 : index
    %swap3A_54 = vector.load %arg7[%swap3A_52, %swap3A_53] : memref<64x128xf32, #tpu.memory_space<vmem>>, vector<64x128xf32>
    tpu.vector_store %arg7[%swap3A_52, %swap3A_53], %add3A_51 {strides = array<i32>} : memref<64x128xf32, #tpu.memory_space<vmem>>, vector<64x128xf32>,
    %dot_general3A_55 = arith.constant dense<0.000000e+00> : vector<64x128xf32>
    %dot_general3A_56 = tpu.matmul %div3A_20, %get3A_37, %dot_general3A_55 {dimension_numbers = #tpu.dot_dimension_numbers<[1], [1], [0], [0], [0, 0, 1, 0], [], []>, transpose_lhs_hint = false} : vector<64x256xf32>, vector<128x256xf32>, vector<64x128xf32> -> vector<64x128xf32>
    %add3A_57 = vector.broadcast %get3A_40 : vector<1x128xf32> to vector<64x128xf32>
    %add3A_58 = arith.addf %dot_general3A_56, %add3A_57 : vector<64x128xf32>
    %swap3A_59 = arith.constant 0 : index
    %swap3A_60 = arith.constant 0 : index
    %swap3A_61 = vector.load %arg8[%swap3A_59, %swap3A_60] : memref<64x128xf32, #tpu.memory_space<vmem>>, vector<64x128xf32>
    tpu.vector_store %arg8[%swap3A_59, %swap3A_60], %add3A_58 {strides = array<i32>} : memref<64x128xf32, #tpu.memory_space<vmem>>, vector<64x128xf32>,
    %mul3A = arith.mulf %add3A, %add3A : vector<3072x256xf32>
    %reduce_sum3A_62 = arith.constant dense<0.000000e+00> : vector<3072xf32>
    %reduce_sum3A_63 = vector.multi_reduction <add>, %mul3A, %reduce_sum3A_62 [1] : vector<3072x256xf32> to vector<3072xf32>
    %broadcast_in_dim3A_64 = vector.shape_cast %reduce_sum3A_63 : vector<3072xf32> to vector<3072x1xf32>
    %sqrt3A = math.sqrt %broadcast_in_dim3A_64 : vector<3072x1xf32>
    %add3A_65 = arith.constant 9.99999996E-13 : f32
    %add3A_66 = vector.broadcast %add3A_65 : f32 to vector<3072x1xf32>
    %add3A_67 = arith.addf %sqrt3A, %add3A_66 : vector<3072x1xf32>
    %div3A_68 = vector.broadcast %add3A_67 : vector<3072x1xf32> to vector<3072x256xf32>
    %div3A_69 = arith.divf %add3A, %div3A_68 : vector<3072x256xf32>
    %swap3A_70 = arith.constant 0 : index
    %swap3A_71 = arith.constant 0 : index
    %swap3A_72 = vector.load %arg12[%swap3A_70, %swap3A_71] : memref<3072x256xf32, #tpu.memory_space<vmem>>, vector<3072x256xf32>
    tpu.vector_store %arg12[%swap3A_70, %swap3A_71], %div3A_69 {strides = array<i32>} : memref<3072x256xf32, #tpu.memory_space<vmem>>, vector<3072x256xf32>,
    return
  }
}

module attributes {stable_mosaic.version = 14 : i64} {
  func.func @_adj_body(%arg0: i32, %arg1: i32, %arg2: memref<6x6xi32, #tpu.memory_space<smem>>, %arg3: memref<512x256xf32, #tpu.memory_space<vmem>>, %arg4: memref<512x256xf32, #tpu.memory_space<vmem>>, %arg5: memref<512x256xf32, #tpu.memory_space<vmem>>, %arg6: memref<512x256xf32, #tpu.memory_space<vmem>>, %arg7: memref<512x1xi32, #tpu.memory_space<vmem>>, %arg8: memref<1x512xi32, #tpu.memory_space<vmem>>, %arg9: memref<512x512xf32, #tpu.memory_space<vmem>>, %arg10: memref<512x512xf32, #tpu.memory_space<vmem>>) attributes {dimension_semantics = [#tpu.dimension_semantics<arbitrary>, #tpu.dimension_semantics<arbitrary>], iteration_bounds = array<i64: 6, 6>, scalar_prefetch = 1 : i64, scratch_operands = 0 : i64, tpu.core_type = #tpu.core_type<tc>, window_params = [{transform_indices = @transform_0, window_bounds = array<i64: 512, 256>}, {transform_indices = @transform_1, window_bounds = array<i64: 512, 256>}, {transform_indices = @transform_2, window_bounds = array<i64: 512, 256>}, {transform_indices = @transform_3, window_bounds = array<i64: 512, 256>}, {transform_indices = @transform_4, window_bounds = array<i64: 512, 1>}, {transform_indices = @transform_5, window_bounds = array<i64: 1, 512>}, {transform_indices = @transform_6, window_bounds = array<i64: 512, 512>}, {transform_indices = @transform_7, window_bounds = array<i64: 512, 512>}]} {
    %get3A = arith.constant 0 : index
    %get3A_0 = arith.constant 0 : index
    %get3A_1 = vector.load %arg7[%get3A, %get3A_0] : memref<512x1xi32, #tpu.memory_space<vmem>>, vector<512x1xi32>
    %get3A_2 = arith.constant 0 : index
    %get3A_3 = arith.constant 0 : index
    %get3A_4 = vector.load %arg8[%get3A_2, %get3A_3] : memref<1x512xi32, #tpu.memory_space<vmem>>, vector<1x512xi32>
    %reduce_max3A = vector.shape_cast %get3A_1 : vector<512x1xi32> to vector<1x512x1xi32>
    %reduce_max3A_5 = arith.constant dense<-2147483648> : vector<1xi32>
    %reduce_max3A_6 = vector.multi_reduction <maxsi>, %reduce_max3A, %reduce_max3A_5 [1, 2] : vector<1x512x1xi32> to vector<1xi32>
    %reduce_max3A_7 = vector.shape_cast %reduce_max3A_6 : vector<1xi32> to vector<1x1x1xi32>
    %reduce_max3A_8 = vector.extract %reduce_max3A_7[0, 0, 0] : i32 from vector<1x1x1xi32>
    %reduce_min3A = vector.shape_cast %get3A_4 : vector<1x512xi32> to vector<1x1x512xi32>
    %reduce_min3A_9 = arith.constant dense<2147483647> : vector<1xi32>
    %reduce_min3A_10 = vector.multi_reduction <minsi>, %reduce_min3A, %reduce_min3A_9 [1, 2] : vector<1x1x512xi32> to vector<1xi32>
    %reduce_min3A_11 = vector.shape_cast %reduce_min3A_10 : vector<1xi32> to vector<1x1x1xi32>
    %reduce_min3A_12 = vector.extract %reduce_min3A_11[0, 0, 0] : i32 from vector<1x1x1xi32>
    %ge3A = arith.cmpi sge, %reduce_max3A_8, %reduce_min3A_12 : i32
    %reduce_max3A_13 = vector.shape_cast %get3A_4 : vector<1x512xi32> to vector<1x1x512xi32>
    %reduce_max3A_14 = arith.constant dense<-2147483648> : vector<1xi32>
    %reduce_max3A_15 = vector.multi_reduction <maxsi>, %reduce_max3A_13, %reduce_max3A_14 [1, 2] : vector<1x1x512xi32> to vector<1xi32>
    %reduce_max3A_16 = vector.shape_cast %reduce_max3A_15 : vector<1xi32> to vector<1x1x1xi32>
    %reduce_max3A_17 = vector.extract %reduce_max3A_16[0, 0, 0] : i32 from vector<1x1x1xi32>
    %reduce_min3A_18 = vector.shape_cast %get3A_1 : vector<512x1xi32> to vector<1x512x1xi32>
    %reduce_min3A_19 = arith.constant dense<2147483647> : vector<1xi32>
    %reduce_min3A_20 = vector.multi_reduction <minsi>, %reduce_min3A_18, %reduce_min3A_19 [1, 2] : vector<1x512x1xi32> to vector<1xi32>
    %reduce_min3A_21 = vector.shape_cast %reduce_min3A_20 : vector<1xi32> to vector<1x1x1xi32>
    %reduce_min3A_22 = vector.extract %reduce_min3A_21[0, 0, 0] : i32 from vector<1x1x1xi32>
    %ge3A_23 = arith.cmpi sge, %reduce_max3A_17, %reduce_min3A_22 : i32
    %and3A = arith.andi %ge3A, %ge3A_23 : i1
    %convert_element_type3A = arith.extui %and3A : i1 to i32
    %cond3A = arith.constant 0 : i32
    %cond3A_24 = arith.cmpi ne, %convert_element_type3A, %cond3A : i32
    scf.if %cond3A_24 {
      %broadcast_in_dim3A = vector.shape_cast %get3A_1 : vector<512x1xi32> to vector<512x1xi32>
      %broadcast_in_dim3A_29 = vector.broadcast %broadcast_in_dim3A : vector<512x1xi32> to vector<512x512xi32>
      %broadcast_in_dim3A_30 = vector.shape_cast %get3A_4 : vector<1x512xi32> to vector<1x512xi32>
      %broadcast_in_dim3A_31 = vector.broadcast %broadcast_in_dim3A_30 : vector<1x512xi32> to vector<512x512xi32>
      %eq3A = arith.cmpi eq, %broadcast_in_dim3A_29, %broadcast_in_dim3A_31 : vector<512x512xi32>
      %get3A_32 = arith.constant 0 : index
      %get3A_33 = arith.constant 0 : index
      %get3A_34 = vector.load %arg3[%get3A_32, %get3A_33] : memref<512x256xf32, #tpu.memory_space<vmem>>, vector<512x256xf32>
      %get3A_35 = arith.constant 0 : index
      %get3A_36 = arith.constant 0 : index
      %get3A_37 = vector.load %arg4[%get3A_35, %get3A_36] : memref<512x256xf32, #tpu.memory_space<vmem>>, vector<512x256xf32>
      %dot_general3A = arith.constant dense<0.000000e+00> : vector<512x512xf32>
      %dot_general3A_38 = tpu.matmul %get3A_34, %get3A_37, %dot_general3A {dimension_numbers = #tpu.dot_dimension_numbers<[1], [1], [0], [0], [0, 0, 1, 0], [], []>, transpose_lhs_hint = false} : vector<512x256xf32>, vector<512x256xf32>, vector<512x512xf32> -> vector<512x512xf32>
      %div3A = arith.constant 1.000000e-01 : f32
      %div3A_39 = vector.broadcast %div3A : f32 to vector<512x512xf32>
      %div3A_40 = arith.divf %dot_general3A_38, %div3A_39 : vector<512x512xf32>
      %logistic3A = arith.negf %div3A_40 : vector<512x512xf32>
      %logistic3A_41 = math.exp %logistic3A : vector<512x512xf32>
      %logistic3A_42 = arith.constant 1.000000e+00 : f32
      %logistic3A_43 = vector.broadcast %logistic3A_42 : f32 to vector<512x512xf32>
      %logistic3A_44 = arith.addf %logistic3A_43, %logistic3A_41 : vector<512x512xf32>
      %logistic3A_45 = arith.divf %logistic3A_43, %logistic3A_44 : vector<512x512xf32>
      %jit3A = arith.constant 0.000000e+00 : f32
      %broadcast_in_dim3A_46 = vector.broadcast %jit3A : f32 to vector<512x512xf32>
      %select_n3A = arith.select %eq3A, %logistic3A_45, %broadcast_in_dim3A_46 : vector<512x512xi1>, vector<512x512xf32>
      %swap3A = arith.constant 0 : index
      %swap3A_47 = arith.constant 0 : index
      %swap3A_48 = vector.load %arg9[%swap3A, %swap3A_47] : memref<512x512xf32, #tpu.memory_space<vmem>>, vector<512x512xf32>
      tpu.vector_store %arg9[%swap3A, %swap3A_47], %select_n3A {strides = array<i32>} : memref<512x512xf32, #tpu.memory_space<vmem>>, vector<512x512xf32>,
      %get3A_49 = arith.constant 0 : index
      %get3A_50 = arith.constant 0 : index
      %get3A_51 = vector.load %arg5[%get3A_49, %get3A_50] : memref<512x256xf32, #tpu.memory_space<vmem>>, vector<512x256xf32>
      %get3A_52 = arith.constant 0 : index
      %get3A_53 = arith.constant 0 : index
      %get3A_54 = vector.load %arg6[%get3A_52, %get3A_53] : memref<512x256xf32, #tpu.memory_space<vmem>>, vector<512x256xf32>
      %dot_general3A_55 = arith.constant dense<0.000000e+00> : vector<512x512xf32>
      %dot_general3A_56 = tpu.matmul %get3A_51, %get3A_54, %dot_general3A_55 {dimension_numbers = #tpu.dot_dimension_numbers<[1], [1], [0], [0], [0, 0, 1, 0], [], []>, transpose_lhs_hint = false} : vector<512x256xf32>, vector<512x256xf32>, vector<512x512xf32> -> vector<512x512xf32>
      %div3A_57 = arith.constant 1.000000e-01 : f32
      %div3A_58 = vector.broadcast %div3A_57 : f32 to vector<512x512xf32>
      %div3A_59 = arith.divf %dot_general3A_56, %div3A_58 : vector<512x512xf32>
      %logistic3A_60 = arith.negf %div3A_59 : vector<512x512xf32>
      %logistic3A_61 = math.exp %logistic3A_60 : vector<512x512xf32>
      %logistic3A_62 = arith.constant 1.000000e+00 : f32
      %logistic3A_63 = vector.broadcast %logistic3A_62 : f32 to vector<512x512xf32>
      %logistic3A_64 = arith.addf %logistic3A_63, %logistic3A_61 : vector<512x512xf32>
      %logistic3A_65 = arith.divf %logistic3A_63, %logistic3A_64 : vector<512x512xf32>
      %jit3A_66 = arith.constant 0.000000e+00 : f32
      %broadcast_in_dim3A_67 = vector.broadcast %jit3A_66 : f32 to vector<512x512xf32>
      %select_n3A_68 = arith.select %eq3A, %logistic3A_65, %broadcast_in_dim3A_67 : vector<512x512xi1>, vector<512x512xf32>
      %swap3A_69 = arith.constant 0 : index
      %swap3A_70 = arith.constant 0 : index
      %swap3A_71 = vector.load %arg10[%swap3A_69, %swap3A_70] : memref<512x512xf32, #tpu.memory_space<vmem>>, vector<512x512xf32>
      tpu.vector_store %arg10[%swap3A_69, %swap3A_70], %select_n3A_68 {strides = array<i32>} : memref<512x512xf32, #tpu.memory_space<vmem>>, vector<512x512xf32>,
    } else {
    }
    %not3A = arith.constant true
    %not3A_25 = arith.xori %and3A, %not3A : i1
    %convert_element_type3A_26 = arith.extui %not3A_25 : i1 to i32
    %cond3A_27 = arith.constant 0 : i32
    %cond3A_28 = arith.cmpi ne, %convert_element_type3A_26, %cond3A_27 : i32
    scf.if %cond3A_28 {
      %broadcast_in_dim3A = arith.constant 0.000000e+00 : f32
      %broadcast_in_dim3A_29 = vector.broadcast %broadcast_in_dim3A : f32 to vector<512x512xf32>
      %swap3A = arith.constant 0 : index
      %swap3A_30 = arith.constant 0 : index
      %swap3A_31 = vector.load %arg9[%swap3A, %swap3A_30] : memref<512x512xf32, #tpu.memory_space<vmem>>, vector<512x512xf32>
      tpu.vector_store %arg9[%swap3A, %swap3A_30], %broadcast_in_dim3A_29 {strides = array<i32>} : memref<512x512xf32, #tpu.memory_space<vmem>>, vector<512x512xf32>,
      %swap3A_32 = arith.constant 0 : index
      %swap3A_33 = arith.constant 0 : index
      %swap3A_34 = vector.load %arg10[%swap3A_32, %swap3A_33] : memref<512x512xf32, #tpu.memory_space<vmem>>, vector<512x512xf32>
      tpu.vector_store %arg10[%swap3A_32, %swap3A_33], %broadcast_in_dim3A_29 {strides = array<i32>} : memref<512x512xf32, #tpu.memory_space<vmem>>, vector<512x512xf32>,
    } else {
    }
    return
  }
  func.func @transform_0(%arg0: i32, %arg1: i32, %arg2: memref<6x6xi32, #tpu.memory_space<smem>>) -> (i32, i32) {
    %c0_i32 = arith.constant 0 : i32
    %c0_i32_0 = arith.constant 0 : i32
    return %arg0, %c0_i32 : i32, i32
  }
  func.func @transform_1(%arg0: i32, %arg1: i32, %arg2: memref<6x6xi32, #tpu.memory_space<smem>>) -> (i32, i32) {
    %get3A = arith.index_cast %arg0 : i32 to index
    %get3A_0 = arith.index_cast %arg1 : i32 to index
    %get3A_1 = memref.load %arg2[%get3A, %get3A_0] : memref<6x6xi32, #tpu.memory_space<smem>>
    %c0_i32 = arith.constant 0 : i32
    %c0_i32_2 = arith.constant 0 : i32
    return %get3A_1, %c0_i32 : i32, i32
  }
  func.func @transform_2(%arg0: i32, %arg1: i32, %arg2: memref<6x6xi32, #tpu.memory_space<smem>>) -> (i32, i32) {
    %c0_i32 = arith.constant 0 : i32
    %c0_i32_0 = arith.constant 0 : i32
    return %arg0, %c0_i32 : i32, i32
  }
  func.func @transform_3(%arg0: i32, %arg1: i32, %arg2: memref<6x6xi32, #tpu.memory_space<smem>>) -> (i32, i32) {
    %get3A = arith.index_cast %arg0 : i32 to index
    %get3A_0 = arith.index_cast %arg1 : i32 to index
    %get3A_1 = memref.load %arg2[%get3A, %get3A_0] : memref<6x6xi32, #tpu.memory_space<smem>>
    %c0_i32 = arith.constant 0 : i32
    %c0_i32_2 = arith.constant 0 : i32
    return %get3A_1, %c0_i32 : i32, i32
  }
  func.func @transform_4(%arg0: i32, %arg1: i32, %arg2: memref<6x6xi32, #tpu.memory_space<smem>>) -> (i32, i32) {
    %c0_i32 = arith.constant 0 : i32
    %c0_i32_0 = arith.constant 0 : i32
    return %arg0, %c0_i32 : i32, i32
  }
  func.func @transform_5(%arg0: i32, %arg1: i32, %arg2: memref<6x6xi32, #tpu.memory_space<smem>>) -> (i32, i32) {
    %c0_i32 = arith.constant 0 : i32
    %c0_i32_0 = arith.constant 0 : i32
    return %c0_i32, %arg1 : i32, i32
  }
  func.func @transform_6(%arg0: i32, %arg1: i32, %arg2: memref<6x6xi32, #tpu.memory_space<smem>>) -> (i32, i32) {
    %c0_i32 = arith.constant 0 : i32
    return %arg0, %arg1 : i32, i32
  }
  func.func @transform_7(%arg0: i32, %arg1: i32, %arg2: memref<6x6xi32, #tpu.memory_space<smem>>) -> (i32, i32) {
    %c0_i32 = arith.constant 0 : i32
    return %arg0, %arg1 : i32, i32
  }
}

</mosaic_0001>

<sc_bundles>
// kernel: kernel.7.cloned.1.call-start
scs
__scs_entry_jumppad:
0x0: {  	(pc) =	sbr.rel $0x88, $3  }
0x1: {  	(tag) =	ssettag $0x0;
	lr =	simm.s32 $0x1  }
0x2: {  	[smem:$0x3F97] =	sst lr;
	_ =	strace $0xD0000000  }
0x3: {  	_ = 	snop  }
0x4: {  	_ = 	snop  }
0x5: {  	_ = 	snop  }
0x6: {  	_ = 	snop  }
0x7: {  	_ = 	snop  }
__scs_overlays_trampoline_lowered:
0x8: {  	[smem:$0x3FA6] =	sst s0  }
0x9: {  	[smem:$0x3FA7] =	sst s1  }
0xa: {  	[smem:$0x3FA8] =	sst s2  }
0xb: {  	[smem:$0x3FA9] =	sst s3  }
0xc: {  	[smem:$0x3FAA] =	sst s4  }
0xd: {  	[smem:$0x3FAB] =	sst s5  }
0xe: {  	[smem:$0x3FAC] =	sst s6  }
0xf: {  	[smem:$0x3FAD] =	sst s7  }
0x10: {  	[smem:$0x3FAE] =	sst s8  }
0x11: {  	[smem:$0x3FAF] =	sst s9;
	s0 =	simm.s32 @!p0 $0x0  }
0x12: {  	s1 =	sld [smem:$0x3F95];
	s0 =	simm.s32 @p0 $0x1  }
0x13: {  	[smem:$0x3FB0] =	sst s0;
	s0 =	simm.s32 @!p1 $0x0  }
0x14: {  	s2 =	sld [smem:$0x3F94];
	s0 =	simm.s32 @p1 $0x1  }
0x15: {  	[smem:$0x3FB1] =	sst s0;
	s0 =	simm.s32 @!p2 $0x0  }
0x16: {  	s3 =	sld [smem:$0x3FDB];
	s0 =	simm.s32 @p2 $0x1  }
0x17: {  	s4 =	simm.s32 $0x1BF5;
	[smem:$0x3FB3] =	sst s0  }
0x18: {  	s0 =	sld [smem:$0x3F96];
	_ =	swait.ge [sflag:s4], $0x0  }
0x19: {  	s7 =	sld [smem:$0x3F97]  }
0x1a: {  	s8 =	sadd.s32 $0xFFFFE003, lr  }
0x1b: {  	s9 =	sadd.s32 $0xFFFFFEF7, lr;
	s5 =	simm.s32 $0xFFFFFFFF;
	p2 =	slt.u32 s8, $0xFFFFF086  }
0x1c: {  	p1 =	slt.u32 s9, $0xF7A;
	s5 =	simm.s32 @!p2 $0x0  }
0x1d: {  	s5 =	simm.s32 @p1 $0x1;
	p0 =	seq.s32 s7, s2  }
0x1e: {  	s7 =	smul.u32 @!p0 $0xF7A, s2;
	p2 =	seq.s32 @!p0 s5, $0x0  }
0x1f: {  	s9 =	smul.u32 $0xF7A, s1;
	s8 =	simm.s32 @!p0 $0x1BF5;
	p2 =	por !p2, p0  }
0x20: {  	[sflag:s8] =	ssyncset.s32 @!p0 $0xFFFFF086;
	s6 =	sadd.s32 @!p0 s3, s7;
	s7 =	simm.s32 @!p0 $0x108  }
0x21: {  	s3 =	sadd.s32 s3, s9;
	s6 =	sadd.s32 @!p0 $0x88, s6;
	s7 =	simm.s32 @p2 $0x1082  }
0x22: {  	[simem:s7], [sflag:s8] =	dma.local @!p0 [hbm:s6], $0xF7A  }
0x23: {  	s9 =	sor.u32 $0xD0000000, s2;
	s6 =	simm.s32 $0x108;
	_ =	swait.ge @!p0 [sflag:s8], $0x0  }
0x24: {  	s3 =	sadd.s32 $0x88, s3;
	s6 =	simm.s32 @!p1 $0x1082;
	[sflag:s4] =	ssyncset.s32 $0xFFFFF086  }
0x25: {  	[simem:s6], [sflag:s4] =	dma.local [hbm:s3], $0xF7A  }
0x26: {  	[smem:$0x3F97] =	sst s1;
	(tag) =	ssettag s2;
	_ =	strace s9  }
0x27: {  	s1 =	sld [smem:$0x3FA7]  }
0x28: {  	s2 =	sld [smem:$0x3FA8]  }
0x29: {  	s4 =	sld [smem:$0x3FAA]  }
0x2a: {  	p0 =	seq.s32 s5, $0x0;
	s5 =	sld [smem:$0x3FAB]  }
0x2b: {  	s6 =	sld [smem:$0x3FAC]  }
0x2c: {  	s7 =	sld [smem:$0x3FAD]  }
0x2d: {  	s3 =	simm.s32 $0x108;
	s8 =	sld [smem:$0x3FAE]  }
0x2e: {  	s3 =	simm.s32 @!p0 $0x1082;
	s9 =	sld [smem:$0x3FAF]  }
0x2f: {  	lr =	sadd.s32 s0, s3;
	s0 =	sld [smem:$0x3FA6]  }
0x30: {  	s3 =	sld [smem:$0x3FA9]  }
0x31: {  	[smem:$0x3FB2] =	sst s10  }
0x32: {  	s10 =	sld [smem:$0x3FB0];
	_ =	sdelay $0x3  }
0x33: {  	p0 =	seq.s32 s10, $0x1;
	s10 =	sld [smem:$0x3FB2];
	_ =	sdelay $0x3  }
0x34: {  	[smem:$0x3FB2] =	sst s10  }
0x35: {  	s10 =	sld [smem:$0x3FB1];
	_ =	sdelay $0x3  }
0x36: {  	p1 =	seq.s32 s10, $0x1;
	s10 =	sld [smem:$0x3FB2];
	_ =	sdelay $0x3  }
0x37: {  	[smem:$0x3FB2] =	sst s10  }
0x38: {  	s10 =	sld [smem:$0x3FB3]  }
0x39: {  	_ = 	snop;
	(pc) =	sbr.ind lr, $3  }
0x3a: {  	_ = 	snop  }
0x3b: {  	_ = 	snop  }
0x3c: {  	p2 =	seq.s32 s10, $0x1;
	s10 =	sld [smem:$0x3FB2]  }
0x3d: {  	_ =	shalt  }
0x3e: {  	_ =	shalt  }
0x3f: {  	_ =	shalt  }
0x40: {  	_ =	shalt  }
0x41: {  	_ =	shalt  }
0x42: {  	_ =	shalt  }
0x43: {  	_ =	shalt  }
0x44: {  	_ =	shalt  }
0x45: {  	_ =	shalt  }
0x46: {  	_ =	shalt  }
0x47: {  	_ =	shalt  }
0x48: {  	_ =	shalt  }
0x49: {  	_ =	shalt  }
0x4a: {  	_ =	shalt  }
0x4b: {  	_ =	shalt  }
0x4c: {  	_ =	shalt  }
0x4d: {  	_ =	shalt  }
0x4e: {  	_ =	shalt  }
0x4f: {  	_ =	shalt  }
0x50: {  	_ =	shalt  }
0x51: {  	_ =	shalt  }
0x52: {  	_ =	shalt  }
0x53: {  	_ =	shalt  }
0x54: {  	_ =	shalt  }
0x55: {  	_ =	shalt  }
0x56: {  	_ =	shalt  }
0x57: {  	_ =	shalt  }
0x58: {  	_ =	shalt  }
0x59: {  	_ =	shalt  }
0x5a: {  	_ =	shalt  }
0x5b: {  	_ =	shalt  }
0x5c: {  	_ =	shalt  }
0x5d: {  	_ =	shalt  }
0x5e: {  	_ =	shalt  }
0x5f: {  	_ =	shalt  }
0x60: {  	_ =	shalt  }
0x61: {  	_ =	shalt  }
0x62: {  	_ =	shalt  }
0x63: {  	_ =	shalt  }
0x64: {  	_ =	shalt  }
0x65: {  	_ =	shalt  }
0x66: {  	_ =	shalt  }
0x67: {  	_ =	shalt  }
0x68: {  	_ =	shalt  }
0x69: {  	_ =	shalt  }
0x6a: {  	_ =	shalt  }
0x6b: {  	_ =	shalt  }
0x6c: {  	_ =	shalt  }
0x6d: {  	_ =	shalt  }
0x6e: {  	_ =	shalt  }
0x6f: {  	_ =	shalt  }
0x70: {  	_ =	shalt  }
0x71: {  	_ =	shalt  }
0x72: {  	_ =	shalt  }
0x73: {  	_ =	shalt  }
0x74: {  	_ =	shalt  }
0x75: {  	_ =	shalt  }
0x76: {  	_ =	shalt  }
0x77: {  	_ =	shalt  }
0x78: {  	_ =	shalt  }
0x79: {  	_ =	shalt  }
0x7a: {  	_ =	shalt  }
0x7b: {  	_ =	shalt  }
0x7c: {  	_ =	shalt  }
0x7d: {  	_ =	shalt  }
0x7e: {  	_ =	shalt  }
0x7f: {  	_ =	shalt  }
0x80: {  	_ =	shalt  }
0x81: {  	_ =	shalt  }
0x82: {  	_ =	shalt  }
0x83: {  	_ =	shalt  }
0x84: {  	_ =	shalt  }
0x85: {  	_ =	shalt  }
0x86: {  	_ =	shalt  }
0x87: {  	_ =	shalt  }
.Lfunc_end0:
.L_simem_size_0:
called_computation_lowered:
.L_overlay_start_0:
0x88: {  	s2 =	sld [smem:$0x3FD9]  }
0x89: {  	s3 =	sld [smem:$0x3FFE];
	_ =	sdelay $0x1  }
0x8a: {  	s1 =	srdreg.scid  }
0x8b: {  	s0 =	sand.u32 $0x1, s1  }
0x8c: {  	s14 =	sshll.u32 s0, $0xA;
	s2 =	sadd.s32 s3, s2  }
0x8d: {  	s2 =	sadd.s32 s2, s14  }
0x8e: {  	[smem:$0x3FBE] =	sst s2  }
0x8f: {  	_ = 	snop  }
0x90: {  	s2 =	sld [smem:$0x3FD0];
	_ =	sdelay $0x2  }
0x91: {  	s15 =	simm.s32 $0xA;
	s4 =	simm.s32 $0x10  }
0x92: {  	[smem:s4], [sflag:s15] =	dma.local [hbm:s2], $0x1  }
0x93: {  	_ =	swait.eq [sflag:s15], $0x1  }
0x94: {  	[sflag:s15] =	ssyncset.done $0x0  }
0x95: {  	s5 =	sld [smem:$0x13];
	[sflag:s15] =	ssyncadd.s32 $0xFFFFFFFF  }
0x96: {  	s2 =	sadd.s32 $0x1, s2;
	s6 =	sld [smem:$0x14]  }
0x97: {  	[smem:s4], [sflag:s15] =	dma.local [hbm:s2], $0x1  }
0x98: {  	_ =	swait.eq [sflag:s15], $0x1  }
0x99: {  	[sflag:s15] =	ssyncset.done $0x0  }
0x9a: {  	[sflag:s15] =	ssyncadd.s32 $0xFFFFFFFF  }
0x9b: {  	s16 =	sld [smem:$0x12];
	(tm) =	ssettm $0x1  }
0x9c: {  	s17 =	sld [smem:$0x3FFB];
	_ =	sdelay $0x3  }
0x9d: {  	_ =	strace s17  }
0x9e: {  	s3 =	sld [smem:$0x3FFC];
	_ =	sdelay $0x3  }
0x9f: {  	_ =	strace s3  }
0xa0: {  	s3 =	sld [smem:$0x3FFD];
	_ =	sdelay $0x3  }
0xa1: {  	_ =	strace s3  }
0xa2: {  	_ =	strace $0x8FFFFFFF  }
0xa3: {  	s18 =	sld [smem:$0x3FDB];
	_ =	sdelay $0x1  }
0xa4: {  	s19 =	simm.s32 $_scs_section_size  }
0xa5: {  	s7 =	simm.s32 $_size__tile_overlayer_lowered;
	s8 =	simm.s32 $_tile_overlayer_lowered  }
0xa6: {  	s22 =	simm.s32 $0x1BFF;
	s21 =	sshll.u32 s8, $0x1;
	s3 =	sadd.s32 s19, s18  }
0xa7: {  	s9 =	simm.s32 $0x0;
	s20 =	sshll.u32 s7, $0x1;
	s7 =	sadd.s32 s21, s3  }
0xa8: {  	[timem:s9], [sflag:s22] =	dma.local [hbm:s7], s20  }
0xa9: {  	_ =	swait.ge [sflag:s22], s20  }
0xaa: {  	s4 =	ssub.s32 $0x0, s20;
	[sflag:s22] =	ssyncset.done $0x0  }
0xab: {  	[sflag:s22] =	ssyncadd.s32 s4;
	_ =	sdelay $0x1  }
0xac: {  	s23 =	simm.s32 $0x1B8B  }
0xad: {  	_ =	swait.ge [sflag:s23], $0x1  }
0xae: {  	[sflag:s23] =	ssyncset.done $0x0  }
0xaf: {  	s25 =	simm.s32 $0x1B8E;
	s24 =	sld [smem:$0x3FFE];
	[sflag:s23] =	ssyncadd.s32 $0xFFFFFFFF  }
0xb0: {  	s26 =	simm.s32 $execute0_lowered;
	[smem:$0x3FD2] =	sst s25  }
0xb1: {  	s7 =	sshll.u32 s26, $0x1;
	_ =	strace $0x80000046;
	[dreg:$0x1] =	wrdreg $0xFFFFFFFF  }
0xb2: {  	s28 =	simm.s32 $_size_execute0_lowered;
	s3 =	sadd.s32 s3, s7;
	[dreg:$0x0] =	wrdreg $0x0  }
0xb3: {  	s7 =	sshll.u32 s28, $0x1;
	[dreg:$0x2] =	wrdreg s3  }
0xb4: {  	[dreg:$0x3] =	wrdreg s7  }
0xb5: {  	[dreg:$0x4] =	wrdreg $0xC0  }
0xb6: {  	_ =	task [dreg:s9], $0x5FFFF  }
0xb7: {  	[dreg:$0x1] =	wrdreg $0xFFFFFFFF  }
0xb8: {  	[dreg:$0x0] =	wrdreg $0x60  }
0xb9: {  	[dreg:$0x2] =	wrdreg s16  }
0xba: {  	[dreg:$0x3] =	wrdreg s6  }
0xbb: {  	[dreg:$0x4] =	wrdreg s5  }
0xbc: {  	[dreg:$0x5] =	wrdreg s24  }
0xbd: {  	[dreg:$0x6] =	wrdreg $0x9  }
0xbe: {  	_ =	task.clear_ibuf [dreg:s9], $0x7FFFF;
	_ =	strace $0x90000046  }
0xbf: {  	s29 =	simm.s32 $0x9;
	_ =	strace $0x80000048  }
0xc0: {  	_ =	swait.ge [sflag:s29], $0x1  }
0xc1: {  	[sflag:s29] =	ssyncadd.s32 $0xFFFFFFFF  }
0xc2: {  	_ =	strace $0x90000048  }
0xc3: {  	_ =	sfence  }
0xc4: {  	s30 =	sld [smem:$0x0];
	_ =	sdelay $0x2  }
0xc5: {  	s31 =	sshll.u32 s1, $0xD;
	s1 =	sshrl.u32 s1, $0x2  }
0xc6: {  	s3 =	sand.u32 $0x4000, s31;
	s1 =	sadd.s32 s1, s30  }
0xc7: {  	s0 =	sor.u32 s3, s0;
	s1 =	sshll.u32 s1, $0x11  }
0xc8: {  	s0 =	sor.u32 s1, s0  }
0xc9: {  	s0 =	sadd.s32 $0x8F2B, s0  }
0xca: {  	[sflag:s0] =	ssyncadd.remote.s32 $0x1  }
0xcb: {  	_ =	sfence.sel $0xFFFF  }
0xcc: {  	[dreg:$0x0] =	wrdreg $0xFFFFFFFF;
	(pc) =	sbr.abs _section_cstart, $3  }
0xcd: {  	[dreg:$0x1] =	wrdreg $0xFFFFFFFF  }
0xce: {  	_ =	task.clear_ibuf [dreg:s9], $0x2FFFF;
	_ =	strace $0x9FFFFFFF  }
0xcf: {  	(tm) =	ssettm $0x7FFFFFFF  }
tec
execute0_lowered:
.L_overlay_start_1:
0x0: {  	(tag) =	ssettag $0x1  }
0x1: {  	s2 =	rddreg [dreg:$0x0]  }
0x2: {  	s1 =	rddreg [dreg:$0x1]  }
0x3: {  	s4 =	srdreg.scid;
	s3 =	rddreg [dreg:$0x2]  }
0x4: {  	s0 =	stileid.u32;
	s6 =	rddreg [dreg:$0x3]  }
0x5: {  	s25 =	simm.s32 $0x900;
	s10 =	simm.s32 $0x2100;
	s11 =	simm.s32 $0x2900  }
0x6: {  	s12 =	simm.s32 $0x3100;
	s13 =	simm.s32 $0x3900;
	s14 =	simm.s32 $0x4100  }
0x7: {  	s15 =	simm.s32 $0x4900;
	s16 =	simm.s32 $0x5100;
	s17 =	simm.s32 $0x5900  }
0x8: {  	s18 =	simm.s32 $0x6100;
	s19 =	simm.s32 $0x6900;
	s20 =	simm.s32 $0x7100  }
0x9: {  	s28 =	simm.s32 $0xA900;
	s29 =	simm.s32 $0xB100;
	s30 =	simm.s32 $0xB900  }
0xa: {  	s5 =	sand.u32 $0x1, s4;
	s21 =	sshll.u32 s0, $0x1;
	s4 =	simm.s32 $0x0  }
0xb: {  	s31 =	simm.s32 $0x1;
	s7 =	sor.u32 s5, s21;
	[smem:$0x7FF] =	sst s4  }
0xc: {  	s5 =	ssub.s32 $0x2, s5;
	s21 =	simm.s32 $0x7900;
	s8 =	smul.u32 $0xC00, s7  }
0xd: {  	s9 =	smul.u32 $0xC, s7;
	_ =	strace $0x80000047;
	s22 =	sshrl.u32 s5, $0x1  }
0xe: {  	s26 =	sshll.u32 s7, $0x9;
	s7 =	simm.s32 $0x100;
	[dreg:$0x8] =	wrdreg s25  }
0xf: {  	s25 =	simm.s32 $0x9900;
	s5 =	ssub.s32 s5, s22;
	s22 =	simm.s32 $0x8100  }
0x10: {  	v0 =	vmov s26;
	s26 =	simm.s32 $0xA100;
	s6 =	sadd.s32 s8, s6;
	s2 =	sadd.s32 s2, s9  }
0x11: {  	s5 =	smax.u32 s5, $0x1;
	s8 =	simm.s32 $0x1100;
	s9 =	simm.s32 $0x1900  }
0x12: {  	v3 =	vlaneseq.u32;
	[dreg:$0x5] =	wrdreg s2;
	s23 =	sadd.s32 $0x1800, s6;
	s24 =	sadd.s32 $0x19800, s6  }
0x13: {  	vm0 =	vmmov $0xffff;
	v2 =	vshrl.u32 v3, $0x3;
	s6 =	simm.s32 $0x3;
	s2 =	simm.s32 $0x2;
	[dreg:$0x6] =	wrdreg s23  }
0x14: {  	v1 =	vand.u32 $0x7, v3;
	v3 =	vor.u32 $0x8, v3;
	v2 =	vmul.u32 $0x8, v2;
	[dreg:$0x7] =	wrdreg s24;
	s23 =	simm.s32 $0x8900;
	s24 =	simm.s32 $0x9100  }
.LBB2_1:
0x15: {  	s0 =	rddreg [dreg:$0x5]  }
0x16: {  	[tilespmem:s4], [sflag:$0x3] =	stream.linear.gather [hbm4b:s0+s4], $0x60, $0x38;
	[tilespmem:$0xC100] =	vst v63  }
0x17: {  	_ =	swait.ge [sflag:s6], $0x60  }
0x18: {  	[sflag:s6] =	ssyncset.done $0x0  }
0x19: {  	[sflag:s6] =	ssyncadd.s32 $0xFFFFFFA0  }
0x1a: {  	v4 =	vld [tilespmem:$0x0];
	_ =	sdelay $0x4  }
0x1b: {  	v6 =	vld [tilespmem:$0x10];
	v5 =	vadd.s32 v0, v4  }
0x1c: {  	v7 =	vld [tilespmem:$0x20];
	v8 =	vshll.u32 v5, $0x1  }
0x1d: {  	v9 =	vld [tilespmem:$0x30];
	v4 =	vand.u32 $0x7, v4;
	v8 =	vand.u32 $0xFFFFFFF0, v8  }
0x1e: {  	v10 =	vld [tilespmem:$0x40];
	v4 =	vor.u32 v4, v8  }
0x1f: {  	v62 =	vld [tilespmem:$0x50];
	v11 =	vperm.xlane v4, v1  }
0x20: {  	[tilespmem:$0x80] =	vst v5;
	v5 =	vadd.s32 v0, v6  }
0x21: {  	[tilespmem:$0x90] =	vst v5;
	v5 =	vadd.s32 v0, v7;
	v4 =	vperm.xlane v4, v3;
	v63 =	vadd.s32 v2, v11  }
0x22: {  	[tilespmem:$0xA0] =	vst v5;
	v5 =	vadd.s32 v0, v9  }
0x23: {  	[tilespmem:$0xB0] =	vst v5;
	v5 =	vadd.s32 v0, v10;
	v4 =	vadd.s32 v2, v4  }
0x24: {  	[tilespmem:$0xC0] =	vst v5;
	v5 =	vadd.s32 v0, v62  }
0x25: {  	[tilespmem:$0xD0] =	vst v5  }
0x26: {  	[tilespmem:s7], [sflag:$0x1] =	stream.indirect_vreg.gather [hbm4b:s1+s4], $0x80, v63, vm0, $0xb8;
	[tilespmem:$0xC100] =	vst v63  }
0x27: {  	s0 =	rddreg [dreg:$0x8]  }
0x28: {  	[tilespmem:s0], [sflag:$0x1] =	stream.indirect_vreg.gather [hbm4b:s1+s4], $0x80, v4, vm0, $0xb8;
	[tilespmem:$0xC100] =	vst v63  }
0x29: {  	v4 =	vld [tilespmem:$0x90];
	_ =	sdelay $0x4  }
0x2a: {  	v5 =	vshll.u32 v4, $0x1  }
0x2b: {  	v4 =	vand.u32 $0x7, v4;
	v5 =	vand.u32 $0xFFFFFFF0, v5  }
0x2c: {  	v4 =	vor.u32 v4, v5  }
0x2d: {  	v5 =	vperm.xlane v4, v1;
	_ =	sdelay $0x1  }
0x2e: {  	v4 =	vperm.xlane v4, v3;
	v5 =	vadd.s32 v2, v5;
	_ =	sdelay $0x1  }
0x2f: {  	v4 =	vadd.s32 v2, v4;
	_ =	sdelay $0x2  }
0x30: {  	[tilespmem:s8], [sflag:$0x1] =	stream.indirect_vreg.gather [hbm4b:s1+s4], $0x80, v5, vm0, $0xb8;
	[tilespmem:$0xC100] =	vst v63  }
0x31: {  	_ = 	snop  }
0x32: {  	[tilespmem:s9], [sflag:$0x1] =	stream.indirect_vreg.gather [hbm4b:s1+s4], $0x80, v4, vm0, $0xb8;
	[tilespmem:$0xC100] =	vst v63  }
0x33: {  	v4 =	vld [tilespmem:$0xA0];
	_ =	sdelay $0x4  }
0x34: {  	v5 =	vshll.u32 v4, $0x1  }
0x35: {  	v4 =	vand.u32 $0x7, v4;
	v5 =	vand.u32 $0xFFFFFFF0, v5  }
0x36: {  	v4 =	vor.u32 v4, v5  }
0x37: {  	v5 =	vperm.xlane v4, v1;
	_ =	sdelay $0x1  }
0x38: {  	v4 =	vperm.xlane v4, v3;
	v5 =	vadd.s32 v2, v5;
	_ =	sdelay $0x1  }
0x39: {  	v4 =	vadd.s32 v2, v4;
	_ =	sdelay $0x2  }
0x3a: {  	[tilespmem:s10], [sflag:$0x1] =	stream.indirect_vreg.gather [hbm4b:s1+s4], $0x80, v5, vm0, $0xb8;
	[tilespmem:$0xC100] =	vst v63  }
0x3b: {  	_ = 	snop  }
0x3c: {  	[tilespmem:s11], [sflag:$0x1] =	stream.indirect_vreg.gather [hbm4b:s1+s4], $0x80, v4, vm0, $0xb8;
	[tilespmem:$0xC100] =	vst v63  }
0x3d: {  	v4 =	vld [tilespmem:$0xB0];
	_ =	sdelay $0x4  }
0x3e: {  	v5 =	vshll.u32 v4, $0x1  }
0x3f: {  	v4 =	vand.u32 $0x7, v4;
	v5 =	vand.u32 $0xFFFFFFF0, v5  }
0x40: {  	v4 =	vor.u32 v4, v5  }
0x41: {  	v5 =	vperm.xlane v4, v1;
	_ =	sdelay $0x1  }
0x42: {  	v4 =	vperm.xlane v4, v3;
	v5 =	vadd.s32 v2, v5;
	_ =	sdelay $0x1  }
0x43: {  	v4 =	vadd.s32 v2, v4;
	_ =	sdelay $0x2  }
0x44: {  	[tilespmem:s12], [sflag:$0x1] =	stream.indirect_vreg.gather [hbm4b:s1+s4], $0x80, v5, vm0, $0xb8;
	[tilespmem:$0xC100] =	vst v63  }
0x45: {  	_ = 	snop  }
0x46: {  	[tilespmem:s13], [sflag:$0x1] =	stream.indirect_vreg.gather [hbm4b:s1+s4], $0x80, v4, vm0, $0xb8;
	[tilespmem:$0xC100] =	vst v63  }
0x47: {  	v4 =	vld [tilespmem:$0xC0];
	_ =	sdelay $0x4  }
0x48: {  	v5 =	vshll.u32 v4, $0x1  }
0x49: {  	v4 =	vand.u32 $0x7, v4;
	v5 =	vand.u32 $0xFFFFFFF0, v5  }
0x4a: {  	v4 =	vor.u32 v4, v5  }
0x4b: {  	v5 =	vperm.xlane v4, v1;
	_ =	sdelay $0x1  }
0x4c: {  	v4 =	vperm.xlane v4, v3;
	v5 =	vadd.s32 v2, v5;
	_ =	sdelay $0x1  }
0x4d: {  	v4 =	vadd.s32 v2, v4;
	_ =	sdelay $0x2  }
0x4e: {  	[tilespmem:s14], [sflag:$0x1] =	stream.indirect_vreg.gather [hbm4b:s1+s4], $0x80, v5, vm0, $0xb8;
	[tilespmem:$0xC100] =	vst v63  }
0x4f: {  	_ = 	snop  }
0x50: {  	[tilespmem:s15], [sflag:$0x1] =	stream.indirect_vreg.gather [hbm4b:s1+s4], $0x80, v4, vm0, $0xb8;
	[tilespmem:$0xC100] =	vst v63  }
0x51: {  	v4 =	vld [tilespmem:$0xD0];
	_ =	sdelay $0x4  }
0x52: {  	v5 =	vshll.u32 v4, $0x1  }
0x53: {  	v4 =	vand.u32 $0x7, v4;
	v5 =	vand.u32 $0xFFFFFFF0, v5  }
0x54: {  	v4 =	vor.u32 v4, v5  }
0x55: {  	v5 =	vperm.xlane v4, v1;
	_ =	sdelay $0x1  }
0x56: {  	v4 =	vperm.xlane v4, v3;
	v5 =	vadd.s32 v2, v5;
	_ =	sdelay $0x1  }
0x57: {  	v4 =	vadd.s32 v2, v4;
	_ =	sdelay $0x2  }
0x58: {  	[tilespmem:s16], [sflag:$0x1] =	stream.indirect_vreg.gather [hbm4b:s1+s4], $0x80, v5, vm0, $0xb8;
	[tilespmem:$0xC100] =	vst v63  }
0x59: {  	_ = 	snop  }
0x5a: {  	[tilespmem:s17], [sflag:$0x1] =	stream.indirect_vreg.gather [hbm4b:s1+s4], $0x80, v4, vm0, $0xb8;
	[tilespmem:$0xC100] =	vst v63  }
0x5b: {  	v4 =	vld [tilespmem:$0x80];
	_ =	sdelay $0x4  }
0x5c: {  	v5 =	vshll.u32 v4, $0x1  }
0x5d: {  	v4 =	vand.u32 $0x7, v4;
	v5 =	vand.u32 $0xFFFFFFF0, v5  }
0x5e: {  	v4 =	vor.u32 v4, v5  }
0x5f: {  	v5 =	vperm.xlane v4, v1;
	_ =	sdelay $0x1  }
0x60: {  	v4 =	vperm.xlane v4, v3;
	v5 =	vadd.s32 v2, v5;
	_ =	sdelay $0x1  }
0x61: {  	v4 =	vadd.s32 v2, v4;
	_ =	sdelay $0x2  }
0x62: {  	[tilespmem:s18], [sflag:$0x2] =	stream.indirect_vreg.gather [hbm4b:s3+s4], $0x80, v5, vm0, $0xb8;
	[tilespmem:$0xC100] =	vst v63  }
0x63: {  	_ = 	snop  }
0x64: {  	[tilespmem:s19], [sflag:$0x2] =	stream.indirect_vreg.gather [hbm4b:s3+s4], $0x80, v4, vm0, $0xb8;
	[tilespmem:$0xC100] =	vst v63  }
0x65: {  	v4 =	vld [tilespmem:$0x90];
	_ =	sdelay $0x4  }
0x66: {  	v5 =	vshll.u32 v4, $0x1  }
0x67: {  	v4 =	vand.u32 $0x7, v4;
	v5 =	vand.u32 $0xFFFFFFF0, v5  }
0x68: {  	v4 =	vor.u32 v4, v5  }
0x69: {  	v5 =	vperm.xlane v4, v1;
	_ =	sdelay $0x1  }
0x6a: {  	v4 =	vperm.xlane v4, v3;
	v5 =	vadd.s32 v2, v5;
	_ =	sdelay $0x1  }
0x6b: {  	v4 =	vadd.s32 v2, v4;
	_ =	sdelay $0x2  }
0x6c: {  	[tilespmem:s20], [sflag:$0x2] =	stream.indirect_vreg.gather [hbm4b:s3+s4], $0x80, v5, vm0, $0xb8;
	[tilespmem:$0xC100] =	vst v63  }
0x6d: {  	_ = 	snop  }
0x6e: {  	[tilespmem:s21], [sflag:$0x2] =	stream.indirect_vreg.gather [hbm4b:s3+s4], $0x80, v4, vm0, $0xb8;
	[tilespmem:$0xC100] =	vst v63  }
0x6f: {  	v4 =	vld [tilespmem:$0xA0];
	_ =	sdelay $0x4  }
0x70: {  	v5 =	vshll.u32 v4, $0x1  }
0x71: {  	v4 =	vand.u32 $0x7, v4;
	v5 =	vand.u32 $0xFFFFFFF0, v5  }
0x72: {  	v4 =	vor.u32 v4, v5  }
0x73: {  	v5 =	vperm.xlane v4, v1;
	_ =	sdelay $0x1  }
0x74: {  	v4 =	vperm.xlane v4, v3;
	v5 =	vadd.s32 v2, v5;
	_ =	sdelay $0x1  }
0x75: {  	v4 =	vadd.s32 v2, v4;
	_ =	sdelay $0x2  }
0x76: {  	[tilespmem:s22], [sflag:$0x2] =	stream.indirect_vreg.gather [hbm4b:s3+s4], $0x80, v5, vm0, $0xb8;
	[tilespmem:$0xC100] =	vst v63  }
0x77: {  	_ = 	snop  }
0x78: {  	[tilespmem:s23], [sflag:$0x2] =	stream.indirect_vreg.gather [hbm4b:s3+s4], $0x80, v4, vm0, $0xb8;
	[tilespmem:$0xC100] =	vst v63  }
0x79: {  	v4 =	vld [tilespmem:$0xB0];
	_ =	sdelay $0x4  }
0x7a: {  	v5 =	vshll.u32 v4, $0x1  }
0x7b: {  	v4 =	vand.u32 $0x7, v4;
	v5 =	vand.u32 $0xFFFFFFF0, v5  }
0x7c: {  	v4 =	vor.u32 v4, v5  }
0x7d: {  	v5 =	vperm.xlane v4, v1;
	_ =	sdelay $0x1  }
0x7e: {  	v4 =	vperm.xlane v4, v3;
	v5 =	vadd.s32 v2, v5;
	_ =	sdelay $0x1  }
0x7f: {  	v4 =	vadd.s32 v2, v4;
	_ =	sdelay $0x2  }
0x80: {  	[tilespmem:s24], [sflag:$0x2] =	stream.indirect_vreg.gather [hbm4b:s3+s4], $0x80, v5, vm0, $0xb8;
	[tilespmem:$0xC100] =	vst v63  }
0x81: {  	_ = 	snop  }
0x82: {  	[tilespmem:s25], [sflag:$0x2] =	stream.indirect_vreg.gather [hbm4b:s3+s4], $0x80, v4, vm0, $0xb8;
	[tilespmem:$0xC100] =	vst v63  }
0x83: {  	v4 =	vld [tilespmem:$0xC0];
	_ =	sdelay $0x4  }
0x84: {  	v5 =	vshll.u32 v4, $0x1  }
0x85: {  	v4 =	vand.u32 $0x7, v4;
	v5 =	vand.u32 $0xFFFFFFF0, v5  }
0x86: {  	v4 =	vor.u32 v4, v5  }
0x87: {  	v5 =	vperm.xlane v4, v1;
	_ =	sdelay $0x1  }
0x88: {  	v4 =	vperm.xlane v4, v3;
	v5 =	vadd.s32 v2, v5;
	_ =	sdelay $0x1  }
0x89: {  	v4 =	vadd.s32 v2, v4;
	_ =	sdelay $0x2  }
0x8a: {  	[tilespmem:s26], [sflag:$0x2] =	stream.indirect_vreg.gather [hbm4b:s3+s4], $0x80, v5, vm0, $0xb8;
	[tilespmem:$0xC100] =	vst v63  }
0x8b: {  	_ = 	snop  }
0x8c: {  	[tilespmem:s28], [sflag:$0x2] =	stream.indirect_vreg.gather [hbm4b:s3+s4], $0x80, v4, vm0, $0xb8;
	[tilespmem:$0xC100] =	vst v63  }
0x8d: {  	v4 =	vld [tilespmem:$0xD0];
	_ =	sdelay $0x4  }
0x8e: {  	v5 =	vshll.u32 v4, $0x1  }
0x8f: {  	v4 =	vand.u32 $0x7, v4;
	v5 =	vand.u32 $0xFFFFFFF0, v5  }
0x90: {  	v4 =	vor.u32 v4, v5  }
0x91: {  	v5 =	vperm.xlane v4, v1;
	_ =	sdelay $0x1  }
0x92: {  	v4 =	vperm.xlane v4, v3;
	v5 =	vadd.s32 v2, v5;
	_ =	sdelay $0x1  }
0x93: {  	v4 =	vadd.s32 v2, v4;
	_ =	sdelay $0x2  }
0x94: {  	[tilespmem:s29], [sflag:$0x2] =	stream.indirect_vreg.gather [hbm4b:s3+s4], $0x80, v5, vm0, $0xb8;
	[tilespmem:$0xC100] =	vst v63  }
0x95: {  	_ = 	snop  }
0x96: {  	[tilespmem:s30], [sflag:$0x2] =	stream.indirect_vreg.gather [hbm4b:s3+s4], $0x80, v4, vm0, $0xb8;
	[tilespmem:$0xC100] =	vst v63  }
0x97: {  	_ =	swait.ge [sflag:s31], $0x6000  }
0x98: {  	[sflag:s31] =	ssyncset.done $0x0  }
0x99: {  	[sflag:s31] =	ssyncadd.s32 $0xFFFFA000  }
0x9a: {  	_ =	swait.ge [sflag:s2], $0x6000  }
0x9b: {  	[sflag:s2] =	ssyncset.done $0x0  }
0x9c: {  	s0 =	rddreg [dreg:$0x6];
	[sflag:s2] =	ssyncadd.s32 $0xFFFFA000  }
0x9d: {  	[hbm4b:s0+s4] =	stream.linear.scatter [tilespmem:s7], [sflag:$0x3], $0x6000, $0x38;
	[tilespmem:$0xC100] =	vst v63  }
0x9e: {  	_ =	swait.ge [sflag:s6], $0x6000  }
0x9f: {  	p0 =	sne.s32 s5, $0x1;
	[sflag:s6] =	ssyncset.done $0x0  }
.Ltmp0:
0xa0: {  	s0 =	rddreg [dreg:$0x7];
	[sflag:s6] =	ssyncadd.s32 $0xFFFFA000;
	(pc) =	sbr.rel @p0 .LBB2_1-.Ltmp0, $4  }
0xa1: {  	[hbm4b:s0+s4] =	stream.linear.scatter [tilespmem:s18], [sflag:$0x3], $0x6000, $0x38;
	[tilespmem:$0xC100] =	vst v63  }
0xa2: {  	_ =	swait.ge [sflag:s6], $0x6000  }
0xa3: {  	[sflag:s6] =	ssyncset.done $0x0  }
0xa4: {  	s5 =	sadd.s32 $0xFFFFFFFF, s5;
	[sflag:s6] =	ssyncadd.s32 $0xFFFFA000  }
0xa5: {  	_ =	sfence.sel $0x180000  }
0xa6: {  	[bflag:$0x0] =	sbarrier.arrive $0xFFFF  }
0xa7: {  	_ =	strace $0x90000047  }
0xa8: {  	s0 =	stileid.u32;
	[bflag:$0x2] =	sbarrier.arrive $0xFFFF  }
0xa9: {  	p0 =	sne.s32 s0, $0x0;
	s0 =	rddreg [dreg:$0x4]  }
0xaa: {  	s0 =	sadd.s32 @!p0 $0x100000, s0  }
0xab: {  	[sflag:s0] =	ssyncadd.tile.s32 @!p0 $0x1;
	_ =	shalt  }
.Lfunc_end2:
_tile_overlayer_lowered:
.L_overlay_start_2:
0xac: {  	(tag) =	ssettag $0x2  }
0xad: {  	s0 =	rddreg [dreg:$0x0];
	s2 =	stileid.u32  }
0xae: {  	s1 =	rddreg [dreg:$0x1];
	p0 =	sne.s32 s2, $0x0  }
0xaf: {  	s3 =	rddreg [dreg:$0x2];
	[bflag:$0x3] =	sbarrier.arrive $0xFFFF;
	s2 =	simm.s32 @!p0 $0x1C03  }
0xb0: {  	[timem:s3], [sflag:s2] =	dma.local @!p0 [hbm:s0], s1  }
0xb1: {  	s0 =	simm.s32 @!p0 $0x3  }
0xb2: {  	_ =	swait.ge @!p0 [sflag:s0], s1  }
0xb3: {  	s1 =	ssub.s32 @!p0 $0x0, s1;
	[sflag:s0] =	ssyncset.done @!p0 $0x0  }
0xb4: {  	[sflag:s0] =	ssyncadd.s32 @!p0 s1  }
0xb5: {  	[bflag:$0x3] =	sbarrier.arrive $0xFFFF  }
0xb6: {  	_ =	shalt  }

</sc_bundles>
